<compile_context>
chip_gen: v7x
topology: tpu7x:2x2x1
jax: 0.10.2.dev20260603
libtpu: 0.0.44.dev20260713+nightly
codegen_flags: <defaults>
</compile_context>

<pallas_src>
import functools

import jax
import jax.numpy as jnp
from jax import lax
from jax.experimental import pallas as pl
from jax.experimental.pallas import tpu as pltpu
from jax.experimental.pallas import tpu_sc as plsc

N = 10000
NP = 10240
D = 128
E = 320000
NC = 2
NS = 16
NW = NC * NS
CHUNK = 80
NCHUNK = E // (NW * CHUNK)
ACHUNK = 64
CPT = 157
IROWS = CPT // 2 + 1
SLOW_CID = 0
CPT_SLOW = 131
CPT_X = 25
XROWS = (CPT_X + 1) // 2
SLAB = NP // NS

_mesh = plsc.VectorSubcoreMesh(core_axis_name="c", subcore_axis_name="s")



@functools.partial(
    pl.kernel,
    mesh=_mesh,
    out_type=jax.ShapeDtypeStruct((NC, NP), jnp.float32),
    scratch_types=[
        pltpu.VMEM((NCHUNK, CHUNK), jnp.int32),
        pltpu.VMEM((CHUNK,), jnp.float32),
        pltpu.VMEM((SLAB,), jnp.float32),
        pltpu.VMEM_SHARED((NP,), jnp.float32),
    ],
)
def _deg_kernel(dst_hbm, out_hbm, didx_v, ones_v, buf_v, deg_sh):
    cid = lax.axis_index("c")
    sid = lax.axis_index("s")
    wid = sid * NC + cid
    for k in range(CHUNK // 16):
        ones_v[pl.ds(16 * k, 16)] = jnp.ones((16,), jnp.float32)
    for k in range(SLAB // 16):
        buf_v[pl.ds(16 * k, 16)] = jnp.zeros((16,), jnp.float32)
    pltpu.sync_copy(buf_v, deg_sh.at[pl.ds(sid * SLAB, SLAB)])
    plsc.subcore_barrier()

    pltpu.sync_copy(dst_hbm.at[wid], didx_v)

    def body(i, carry):
        pltpu.sync_copy(ones_v, deg_sh.at[didx_v.at[i]], add=True)
        return carry

    lax.fori_loop(0, NCHUNK, body, 0)
    plsc.subcore_barrier()

    sl = pl.ds(sid * SLAB, SLAB)
    pltpu.sync_copy(deg_sh.at[sl], buf_v)
    pltpu.sync_copy(buf_v, out_hbm.at[cid, sl])



@functools.partial(
    pl.kernel,
    mesh=_mesh,
    out_type=jax.ShapeDtypeStruct((NC, NP, D), jnp.float32),
    scratch_types=[
        pltpu.VMEM((IROWS, 2 * ACHUNK), jnp.int32),
        pltpu.VMEM((CPT, ACHUNK), jnp.int32),
        pltpu.VMEM((2 * ACHUNK, D), jnp.float32),
        pltpu.VMEM_SHARED((NP, D), jnp.float32),
        pltpu.SemaphoreType.DMA,
        pltpu.SemaphoreType.DMA,
    ],
)
def _agg_kernel(g_hbm, sidx_hbm, didx_hbm, sidx2_hbm, didx2_hbm, out_hbm,
                sidx_v, didx_v, rowsb, acc_sh, sem0, sem1):
    cid = lax.axis_index("c")
    sid = lax.axis_index("s")
    wid = sid * NC + cid
    rows0 = rowsb.at[pl.ds(0, ACHUNK)]
    rows1 = rowsb.at[pl.ds(ACHUNK, ACHUNK)]

    def zrow(r, carry):
        for k in range(D // 16):
            rowsb[r, pl.ds(16 * k, 16)] = jnp.zeros((16,), jnp.float32)
        return carry

    lax.fori_loop(0, 2 * ACHUNK, zrow, 0)

    def zslab(k, carry):
        pltpu.sync_copy(rowsb, acc_sh.at[pl.ds(sid * SLAB + k * 2 * ACHUNK, 2 * ACHUNK)])
        return carry

    lax.fori_loop(0, SLAB // (2 * ACHUNK), zslab, 0)
    plsc.subcore_barrier()

    pltpu.sync_copy(sidx_hbm.at[wid], sidx_v)
    pltpu.sync_copy(didx_hbm.at[wid], didx_v)

    def sslice(j, half):
        return sidx_v.at[j, pl.ds(half * ACHUNK, ACHUNK)]

    def dslice(j, half):
        return didx_v.at[2 * j + half]

    def pipe(npairs, limit):
        pltpu.async_copy(g_hbm.at[sslice(0, 0)], rows0, sem0)

        def body(j, carry):
            c1 = 2 * j + 1

            @pl.when(c1 < limit)
            def _():
                pltpu.async_copy(g_hbm.at[sslice(j, 1)], rows1, sem1)

            pltpu.make_async_copy(g_hbm.at[sslice(j, 0)], rows0, sem0).wait()
            pltpu.sync_copy(rows0, acc_sh.at[dslice(j, 0)], add=True)

            @pl.when(c1 < limit)
            def _():
                pltpu.async_copy(g_hbm.at[sslice(j + 1, 0)], rows0, sem0)
                pltpu.make_async_copy(g_hbm.at[sslice(j, 1)], rows1, sem1).wait()
                pltpu.sync_copy(rows1, acc_sh.at[dslice(j, 1)], add=True)

            return carry

        lax.fori_loop(0, npairs, body, 0)

    mycpt = jnp.where(cid == SLOW_CID, CPT_SLOW, CPT)
    pipe((mycpt + 1) // 2, mycpt)

    @pl.when(cid != SLOW_CID)
    def _():
        pltpu.sync_copy(sidx2_hbm.at[wid], sidx_v.at[pl.ds(0, XROWS)])
        pltpu.sync_copy(didx2_hbm.at[wid], didx_v.at[pl.ds(0, CPT_X)])
        pipe((CPT_X + 1) // 2, CPT_X)

    plsc.subcore_barrier()

    def wb(k, carry):
        sl = pl.ds(sid * SLAB + k * 2 * ACHUNK, 2 * ACHUNK)
        pltpu.sync_copy(acc_sh.at[sl], rowsb)
        pltpu.sync_copy(rowsb, out_hbm.at[cid, sl])
        return carry

    lax.fori_loop(0, SLAB // (2 * ACHUNK), wb, 0)



_RB = 2000


def _mm_body(x_ref, w_ref, dg_ref, g_ref):
    h = jnp.dot(x_ref[...], w_ref[...],
                preferred_element_type=jnp.float32,
                precision=lax.Precision.HIGHEST)
    deg = dg_ref[:, 0:1] + dg_ref[:, 1:2] + 1.0
    g_ref[...] = h * lax.rsqrt(deg)


_mm_call = pl.pallas_call(
    _mm_body,
    grid=(N // _RB,),
    in_specs=[
        pl.BlockSpec((_RB, D), lambda i: (i, 0)),
        pl.BlockSpec((D, D), lambda i: (0, 0)),
        pl.BlockSpec((_RB, NC), lambda i: (i, 0)),
    ],
    out_specs=pl.BlockSpec((_RB, D), lambda i: (i, 0)),
    out_shape=jax.ShapeDtypeStruct((N, D), jnp.float32),
)



def _ln_body(x_ref, g_ref, acc_ref, dg_ref, b_ref, gm_ref, bt_ref, o_ref):
    deg = dg_ref[:, 0:1] + dg_ref[:, 1:2] + 1.0
    dinv = lax.rsqrt(deg)
    tot = (acc_ref[0] + acc_ref[1] + g_ref[...]) * dinv + b_ref[...]
    y = x_ref[...] + tot
    mu = jnp.mean(y, axis=-1, keepdims=True)
    yc = y - mu
    var = jnp.mean(yc * yc, axis=-1, keepdims=True)
    o_ref[...] = yc * lax.rsqrt(var + 1e-5) * gm_ref[...] + bt_ref[...]


_ln_call = pl.pallas_call(
    _ln_body,
    grid=(N // _RB,),
    in_specs=[
        pl.BlockSpec((_RB, D), lambda i: (i, 0)),
        pl.BlockSpec((_RB, D), lambda i: (i, 0)),
        pl.BlockSpec((NC, _RB, D), lambda i: (0, i, 0)),
        pl.BlockSpec((_RB, NC), lambda i: (i, 0)),
        pl.BlockSpec((1, D), lambda i: (0, 0)),
        pl.BlockSpec((1, D), lambda i: (0, 0)),
        pl.BlockSpec((1, D), lambda i: (0, 0)),
    ],
    out_specs=pl.BlockSpec((_RB, D), lambda i: (i, 0)),
    out_shape=jax.ShapeDtypeStruct((N, D), jnp.float32),
)



@jax.jit
def kernel(x, edge_index, W, b, gamma, beta):
    srcf = edge_index[0].astype(jnp.int32)
    dstf = edge_index[1].astype(jnp.int32)
    dst = dstf.reshape(NW, NCHUNK, CHUNK)
    nreal = E // ACHUNK
    n_slow = NS * CPT_SLOW
    npad = n_slow + NS * (CPT + CPT_X) - nreal
    pad_dst = (N + jnp.arange(npad * ACHUNK, dtype=jnp.int32) % (NP - N))
    src2 = srcf.reshape(nreal, ACHUNK)
    dst2 = dstf.reshape(nreal, ACHUNK)
    zrows = jnp.zeros((NS, CPT - CPT_SLOW, ACHUNK), jnp.int32)
    sA = jnp.concatenate(
        [src2[:n_slow].reshape(NS, CPT_SLOW, ACHUNK), zrows], axis=1)
    dA = jnp.concatenate(
        [dst2[:n_slow].reshape(NS, CPT_SLOW, ACHUNK),
         jnp.full_like(zrows, N)], axis=1)
    sB = jnp.concatenate(
        [src2[n_slow:], jnp.zeros((npad, ACHUNK), jnp.int32)],
    ).reshape(NS, CPT + CPT_X, ACHUNK)
    dB = jnp.concatenate(
        [dst2[n_slow:], pad_dst.reshape(npad, ACHUNK)],
    ).reshape(NS, CPT + CPT_X, ACHUNK)

    def _pack(a, rows):
        flat = a.reshape(NS, -1)
        pad = rows * 2 * ACHUNK - flat.shape[1]
        return jnp.concatenate(
            [flat, jnp.zeros((NS, pad), jnp.int32)], axis=1,
        ).reshape(NS, rows, 2 * ACHUNK)

    def _bycid(fast, slow):
        pair = (slow, fast) if SLOW_CID == 0 else (fast, slow)
        return jnp.stack(pair, axis=1).reshape((NW,) + fast.shape[1:])

    didx = _bycid(dB[:, :CPT], dA)
    didx2 = _bycid(dB[:, CPT:], jnp.full((NS, CPT_X, ACHUNK), N, jnp.int32))
    sidx = _bycid(_pack(sB[:, :CPT], IROWS), _pack(sA, IROWS))
    sidx2 = _bycid(_pack(sB[:, CPT:], XROWS),
                   jnp.zeros((NS, XROWS, 2 * ACHUNK), jnp.int32))

    degp = _deg_kernel(dst)
    dg = degp.T
    g = _mm_call(x, W, dg)
    accp = _agg_kernel(g, sidx, didx, sidx2, didx2)
    return _ln_call(x, g, accp, dg,
                    b[None, :], gamma[None, :], beta[None, :])

# --- scband reference (transcript-rebuilt; emitter-appended) ---
"""Pipeline reference for scband-residual-gnnlayer-36919538876531 (READ-ONLY COPY).

The authoritative reference and input builder live on the scoring server;
editing this copy changes nothing except your own understanding.
"""

import jax, jax.numpy as jnp
import numpy as np

N_NODES = 10000
N_EDGES = 320000
D = 128


def setup_inputs(seed: int = 0) -> dict:
    key = jax.random.key(seed)
    k1, k2, k3, k4 = jax.random.split(key, 4)
    x = jax.random.normal(k1, (N_NODES, D), dtype=jnp.float32)
    edge_index = jax.random.randint(k2, (2, N_EDGES), 0, N_NODES, dtype=jnp.int64)
    # GCNConv linear weight (glorot-ish scaling) and bias
    W = jax.random.normal(k3, (D, D), dtype=jnp.float32) * (1.0 / np.sqrt(D))
    b = jnp.zeros((D,), dtype=jnp.float32)
    # LayerNorm params
    gamma = jnp.ones((D,), dtype=jnp.float32)
    beta = jnp.zeros((D,), dtype=jnp.float32)
    return {"x": x, "edge_index": edge_index, "W": W, "b": b, "gamma": gamma, "beta": beta}


def _gcn_conv(x, edge_index, W, b):
    # Faithful PyG GCNConv: add self-loops, symmetric normalization, linear, scatter-add, bias.
    N = x.shape[0]
    loop = jnp.arange(N, dtype=edge_index.dtype)
    src = jnp.concatenate([edge_index[0], loop])
    dst = jnp.concatenate([edge_index[1], loop])
    deg = jnp.zeros((N,), dtype=x.dtype).at[dst].add(1.0)
    deg_inv_sqrt = jnp.where(deg > 0, 1.0 / jnp.sqrt(deg), 0.0)
    norm = deg_inv_sqrt[src] * deg_inv_sqrt[dst]
    h = x @ W
    msg = norm[:, None] * jnp.take(h, src, axis=0)
    agg = jax.ops.segment_sum(msg, dst, num_segments=N)
    return agg + b


def _layer_norm(y, gamma, beta, eps=1e-5):
    mean = jnp.mean(y, axis=-1, keepdims=True)
    var = jnp.var(y, axis=-1, keepdims=True)
    return (y - mean) / jnp.sqrt(var + eps) * gamma + beta


def reference(x, edge_index, W, b, gamma, beta):
    out = _gcn_conv(x, edge_index, W, b)
    # in_channels == out_channels -> residual then layernorm
    out = _layer_norm(x + out, gamma, beta)
    return out

if __name__ == "__main__":
    import jax
    _d = setup_inputs()
    print(jax.jit(kernel)(*tuple(_d.values())))

</pallas_src>

<mosaic_0001>
#map = affine_map<(d0, d1) -> (0, 0, 0)>
#map1 = affine_map<(d0, d1) -> (0, 0)>
module attributes {stable_mosaic.version = 14 : i64} {
  func.func @_deg_kernel(%arg0: i32, %arg1: i32, %arg2: memref<32x125x80xi32, #tpu.memory_space<hbm>>, %arg3: memref<2x10240xf32, #tpu.memory_space<hbm>>, %arg4: memref<125x80xi32, #tpu.memory_space<vmem>>, %arg5: memref<80xf32, #tpu.memory_space<vmem>>, %arg6: memref<640xf32, #tpu.memory_space<vmem>>, %arg7: memref<10240xf32, #tpu.memory_space<vmem_shared>>) attributes {dimension_semantics = [#tpu.dimension_semantics<core_parallel>, #tpu.dimension_semantics<subcore_parallel>], iteration_bounds = array<i64: 2, 16>, scalar_prefetch = 0 : i64, scratch_operands = 4 : i64, tpu.core_type = #tpu.core_type<sc_vector_subcore>, window_params = [{transform_indices = #map}, {transform_indices = #map1}]} {
    %mul3A = arith.constant 2 : i32
    %mul3A_0 = arith.muli %arg1, %mul3A : i32
    %add3A = arith.addi %mul3A_0, %arg0 : i32
    %broadcast_in_dim3A = arith.constant 1.000000e+00 : f32
    %broadcast_in_dim3A_1 = vector.broadcast %broadcast_in_dim3A : f32 to vector<16xf32>
    %swap3A = arith.constant 0 : index
    %swap3A_2 = tpu.vector_load %arg5[%swap3A] {strides = array<i32>} : memref<80xf32, #tpu.memory_space<vmem>>, vector<16xf32>,
    %swap3A_3 = vector.shape_cast %swap3A_2 : vector<16xf32> to vector<16xf32>
    %swap3A_4 = vector.shape_cast %broadcast_in_dim3A_1 : vector<16xf32> to vector<16xf32>
    tpu.vector_store %arg5[%swap3A], %swap3A_4 {strides = array<i32>} : memref<80xf32, #tpu.memory_space<vmem>>, vector<16xf32>,
    %broadcast_in_dim3A_5 = arith.constant 1.000000e+00 : f32
    %broadcast_in_dim3A_6 = vector.broadcast %broadcast_in_dim3A_5 : f32 to vector<16xf32>
    %swap3A_7 = arith.constant 16 : index
    %swap3A_8 = tpu.vector_load %arg5[%swap3A_7] {strides = array<i32>} : memref<80xf32, #tpu.memory_space<vmem>>, vector<16xf32>,
    %swap3A_9 = vector.shape_cast %swap3A_8 : vector<16xf32> to vector<16xf32>
    %swap3A_10 = vector.shape_cast %broadcast_in_dim3A_6 : vector<16xf32> to vector<16xf32>
    tpu.vector_store %arg5[%swap3A_7], %swap3A_10 {strides = array<i32>} : memref<80xf32, #tpu.memory_space<vmem>>, vector<16xf32>,
    %broadcast_in_dim3A_11 = arith.constant 1.000000e+00 : f32
    %broadcast_in_dim3A_12 = vector.broadcast %broadcast_in_dim3A_11 : f32 to vector<16xf32>
    %swap3A_13 = arith.constant 32 : index
    %swap3A_14 = tpu.vector_load %arg5[%swap3A_13] {strides = array<i32>} : memref<80xf32, #tpu.memory_space<vmem>>, vector<16xf32>,
    %swap3A_15 = vector.shape_cast %swap3A_14 : vector<16xf32> to vector<16xf32>
    %swap3A_16 = vector.shape_cast %broadcast_in_dim3A_12 : vector<16xf32> to vector<16xf32>
    tpu.vector_store %arg5[%swap3A_13], %swap3A_16 {strides = array<i32>} : memref<80xf32, #tpu.memory_space<vmem>>, vector<16xf32>,
    %broadcast_in_dim3A_17 = arith.constant 1.000000e+00 : f32
    %broadcast_in_dim3A_18 = vector.broadcast %broadcast_in_dim3A_17 : f32 to vector<16xf32>
    %swap3A_19 = arith.constant 48 : index
    %swap3A_20 = tpu.vector_load %arg5[%swap3A_19] {strides = array<i32>} : memref<80xf32, #tpu.memory_space<vmem>>, vector<16xf32>,
    %swap3A_21 = vector.shape_cast %swap3A_20 : vector<16xf32> to vector<16xf32>
    %swap3A_22 = vector.shape_cast %broadcast_in_dim3A_18 : vector<16xf32> to vector<16xf32>
    tpu.vector_store %arg5[%swap3A_19], %swap3A_22 {strides = array<i32>} : memref<80xf32, #tpu.memory_space<vmem>>, vector<16xf32>,
    %broadcast_in_dim3A_23 = arith.constant 1.000000e+00 : f32
    %broadcast_in_dim3A_24 = vector.broadcast %broadcast_in_dim3A_23 : f32 to vector<16xf32>
    %swap3A_25 = arith.constant 64 : index
    %swap3A_26 = tpu.vector_load %arg5[%swap3A_25] {strides = array<i32>} : memref<80xf32, #tpu.memory_space<vmem>>, vector<16xf32>,
    %swap3A_27 = vector.shape_cast %swap3A_26 : vector<16xf32> to vector<16xf32>
    %swap3A_28 = vector.shape_cast %broadcast_in_dim3A_24 : vector<16xf32> to vector<16xf32>
    tpu.vector_store %arg5[%swap3A_25], %swap3A_28 {strides = array<i32>} : memref<80xf32, #tpu.memory_space<vmem>>, vector<16xf32>,
    %broadcast_in_dim3A_29 = arith.constant 0.000000e+00 : f32
    %broadcast_in_dim3A_30 = vector.broadcast %broadcast_in_dim3A_29 : f32 to vector<16xf32>
    %swap3A_31 = arith.constant 0 : index
    %swap3A_32 = tpu.vector_load %arg6[%swap3A_31] {strides = array<i32>} : memref<640xf32, #tpu.memory_space<vmem>>, vector<16xf32>,
    %swap3A_33 = vector.shape_cast %swap3A_32 : vector<16xf32> to vector<16xf32>
    %swap3A_34 = vector.shape_cast %broadcast_in_dim3A_30 : vector<16xf32> to vector<16xf32>
    tpu.vector_store %arg6[%swap3A_31], %swap3A_34 {strides = array<i32>} : memref<640xf32, #tpu.memory_space<vmem>>, vector<16xf32>,
    %broadcast_in_dim3A_35 = arith.constant 0.000000e+00 : f32
    %broadcast_in_dim3A_36 = vector.broadcast %broadcast_in_dim3A_35 : f32 to vector<16xf32>
    %swap3A_37 = arith.constant 16 : index
    %swap3A_38 = tpu.vector_load %arg6[%swap3A_37] {strides = array<i32>} : memref<640xf32, #tpu.memory_space<vmem>>, vector<16xf32>,
    %swap3A_39 = vector.shape_cast %swap3A_38 : vector<16xf32> to vector<16xf32>
    %swap3A_40 = vector.shape_cast %broadcast_in_dim3A_36 : vector<16xf32> to vector<16xf32>
    tpu.vector_store %arg6[%swap3A_37], %swap3A_40 {strides = array<i32>} : memref<640xf32, #tpu.memory_space<vmem>>, vector<16xf32>,
    %broadcast_in_dim3A_41 = arith.constant 0.000000e+00 : f32
    %broadcast_in_dim3A_42 = vector.broadcast %broadcast_in_dim3A_41 : f32 to vector<16xf32>
    %swap3A_43 = arith.constant 32 : index
    %swap3A_44 = tpu.vector_load %arg6[%swap3A_43] {strides = array<i32>} : memref<640xf32, #tpu.memory_space<vmem>>, vector<16xf32>,
    %swap3A_45 = vector.shape_cast %swap3A_44 : vector<16xf32> to vector<16xf32>
    %swap3A_46 = vector.shape_cast %broadcast_in_dim3A_42 : vector<16xf32> to vector<16xf32>
    tpu.vector_store %arg6[%swap3A_43], %swap3A_46 {strides = array<i32>} : memref<640xf32, #tpu.memory_space<vmem>>, vector<16xf32>,
    %broadcast_in_dim3A_47 = arith.constant 0.000000e+00 : f32
    %broadcast_in_dim3A_48 = vector.broadcast %broadcast_in_dim3A_47 : f32 to vector<16xf32>
    %swap3A_49 = arith.constant 48 : index
    %swap3A_50 = tpu.vector_load %arg6[%swap3A_49] {strides = array<i32>} : memref<640xf32, #tpu.memory_space<vmem>>, vector<16xf32>,
    %swap3A_51 = vector.shape_cast %swap3A_50 : vector<16xf32> to vector<16xf32>
    %swap3A_52 = vector.shape_cast %broadcast_in_dim3A_48 : vector<16xf32> to vector<16xf32>
    tpu.vector_store %arg6[%swap3A_49], %swap3A_52 {strides = array<i32>} : memref<640xf32, #tpu.memory_space<vmem>>, vector<16xf32>,
    %broadcast_in_dim3A_53 = arith.constant 0.000000e+00 : f32
    %broadcast_in_dim3A_54 = vector.broadcast %broadcast_in_dim3A_53 : f32 to vector<16xf32>
    %swap3A_55 = arith.constant 64 : index
    %swap3A_56 = tpu.vector_load %arg6[%swap3A_55] {strides = array<i32>} : memref<640xf32, #tpu.memory_space<vmem>>, vector<16xf32>,
    %swap3A_57 = vector.shape_cast %swap3A_56 : vector<16xf32> to vector<16xf32>
    %swap3A_58 = vector.shape_cast %broadcast_in_dim3A_54 : vector<16xf32> to vector<16xf32>
    tpu.vector_store %arg6[%swap3A_55], %swap3A_58 {strides = array<i32>} : memref<640xf32, #tpu.memory_space<vmem>>, vector<16xf32>,
    %broadcast_in_dim3A_59 = arith.constant 0.000000e+00 : f32
    %broadcast_in_dim3A_60 = vector.broadcast %broadcast_in_dim3A_59 : f32 to vector<16xf32>
    %swap3A_61 = arith.constant 80 : index
    %swap3A_62 = tpu.vector_load %arg6[%swap3A_61] {strides = array<i32>} : memref<640xf32, #tpu.memory_space<vmem>>, vector<16xf32>,
    %swap3A_63 = vector.shape_cast %swap3A_62 : vector<16xf32> to vector<16xf32>
    %swap3A_64 = vector.shape_cast %broadcast_in_dim3A_60 : vector<16xf32> to vector<16xf32>
    tpu.vector_store %arg6[%swap3A_61], %swap3A_64 {strides = array<i32>} : memref<640xf32, #tpu.memory_space<vmem>>, vector<16xf32>,
    %broadcast_in_dim3A_65 = arith.constant 0.000000e+00 : f32
    %broadcast_in_dim3A_66 = vector.broadcast %broadcast_in_dim3A_65 : f32 to vector<16xf32>
    %swap3A_67 = arith.constant 96 : index
    %swap3A_68 = tpu.vector_load %arg6[%swap3A_67] {strides = array<i32>} : memref<640xf32, #tpu.memory_space<vmem>>, vector<16xf32>,
    %swap3A_69 = vector.shape_cast %swap3A_68 : vector<16xf32> to vector<16xf32>
    %swap3A_70 = vector.shape_cast %broadcast_in_dim3A_66 : vector<16xf32> to vector<16xf32>
    tpu.vector_store %arg6[%swap3A_67], %swap3A_70 {strides = array<i32>} : memref<640xf32, #tpu.memory_space<vmem>>, vector<16xf32>,
    %broadcast_in_dim3A_71 = arith.constant 0.000000e+00 : f32
    %broadcast_in_dim3A_72 = vector.broadcast %broadcast_in_dim3A_71 : f32 to vector<16xf32>
    %swap3A_73 = arith.constant 112 : index
    %swap3A_74 = tpu.vector_load %arg6[%swap3A_73] {strides = array<i32>} : memref<640xf32, #tpu.memory_space<vmem>>, vector<16xf32>,
    %swap3A_75 = vector.shape_cast %swap3A_74 : vector<16xf32> to vector<16xf32>
    %swap3A_76 = vector.shape_cast %broadcast_in_dim3A_72 : vector<16xf32> to vector<16xf32>
    tpu.vector_store %arg6[%swap3A_73], %swap3A_76 {strides = array<i32>} : memref<640xf32, #tpu.memory_space<vmem>>, vector<16xf32>,
    %broadcast_in_dim3A_77 = arith.constant 0.000000e+00 : f32
    %broadcast_in_dim3A_78 = vector.broadcast %broadcast_in_dim3A_77 : f32 to vector<16xf32>
    %swap3A_79 = arith.constant 128 : index
    %swap3A_80 = tpu.vector_load %arg6[%swap3A_79] {strides = array<i32>} : memref<640xf32, #tpu.memory_space<vmem>>, vector<16xf32>,
    %swap3A_81 = vector.shape_cast %swap3A_80 : vector<16xf32> to vector<16xf32>
    %swap3A_82 = vector.shape_cast %broadcast_in_dim3A_78 : vector<16xf32> to vector<16xf32>
    tpu.vector_store %arg6[%swap3A_79], %swap3A_82 {strides = array<i32>} : memref<640xf32, #tpu.memory_space<vmem>>, vector<16xf32>,
    %broadcast_in_dim3A_83 = arith.constant 0.000000e+00 : f32
    %broadcast_in_dim3A_84 = vector.broadcast %broadcast_in_dim3A_83 : f32 to vector<16xf32>
    %swap3A_85 = arith.constant 144 : index
    %swap3A_86 = tpu.vector_load %arg6[%swap3A_85] {strides = array<i32>} : memref<640xf32, #tpu.memory_space<vmem>>, vector<16xf32>,
    %swap3A_87 = vector.shape_cast %swap3A_86 : vector<16xf32> to vector<16xf32>
    %swap3A_88 = vector.shape_cast %broadcast_in_dim3A_84 : vector<16xf32> to vector<16xf32>
    tpu.vector_store %arg6[%swap3A_85], %swap3A_88 {strides = array<i32>} : memref<640xf32, #tpu.memory_space<vmem>>, vector<16xf32>,
    %broadcast_in_dim3A_89 = arith.constant 0.000000e+00 : f32
    %broadcast_in_dim3A_90 = vector.broadcast %broadcast_in_dim3A_89 : f32 to vector<16xf32>
    %swap3A_91 = arith.constant 160 : index
    %swap3A_92 = tpu.vector_load %arg6[%swap3A_91] {strides = array<i32>} : memref<640xf32, #tpu.memory_space<vmem>>, vector<16xf32>,
    %swap3A_93 = vector.shape_cast %swap3A_92 : vector<16xf32> to vector<16xf32>
    %swap3A_94 = vector.shape_cast %broadcast_in_dim3A_90 : vector<16xf32> to vector<16xf32>
    tpu.vector_store %arg6[%swap3A_91], %swap3A_94 {strides = array<i32>} : memref<640xf32, #tpu.memory_space<vmem>>, vector<16xf32>,
    %broadcast_in_dim3A_95 = arith.constant 0.000000e+00 : f32
    %broadcast_in_dim3A_96 = vector.broadcast %broadcast_in_dim3A_95 : f32 to vector<16xf32>
    %swap3A_97 = arith.constant 176 : index
    %swap3A_98 = tpu.vector_load %arg6[%swap3A_97] {strides = array<i32>} : memref<640xf32, #tpu.memory_space<vmem>>, vector<16xf32>,
    %swap3A_99 = vector.shape_cast %swap3A_98 : vector<16xf32> to vector<16xf32>
    %swap3A_100 = vector.shape_cast %broadcast_in_dim3A_96 : vector<16xf32> to vector<16xf32>
    tpu.vector_store %arg6[%swap3A_97], %swap3A_100 {strides = array<i32>} : memref<640xf32, #tpu.memory_space<vmem>>, vector<16xf32>,
    %broadcast_in_dim3A_101 = arith.constant 0.000000e+00 : f32
    %broadcast_in_dim3A_102 = vector.broadcast %broadcast_in_dim3A_101 : f32 to vector<16xf32>
    %swap3A_103 = arith.constant 192 : index
    %swap3A_104 = tpu.vector_load %arg6[%swap3A_103] {strides = array<i32>} : memref<640xf32, #tpu.memory_space<vmem>>, vector<16xf32>,
    %swap3A_105 = vector.shape_cast %swap3A_104 : vector<16xf32> to vector<16xf32>
    %swap3A_106 = vector.shape_cast %broadcast_in_dim3A_102 : vector<16xf32> to vector<16xf32>
    tpu.vector_store %arg6[%swap3A_103], %swap3A_106 {strides = array<i32>} : memref<640xf32, #tpu.memory_space<vmem>>, vector<16xf32>,
    %broadcast_in_dim3A_107 = arith.constant 0.000000e+00 : f32
    %broadcast_in_dim3A_108 = vector.broadcast %broadcast_in_dim3A_107 : f32 to vector<16xf32>
    %swap3A_109 = arith.constant 208 : index
    %swap3A_110 = tpu.vector_load %arg6[%swap3A_109] {strides = array<i32>} : memref<640xf32, #tpu.memory_space<vmem>>, vector<16xf32>,
    %swap3A_111 = vector.shape_cast %swap3A_110 : vector<16xf32> to vector<16xf32>
    %swap3A_112 = vector.shape_cast %broadcast_in_dim3A_108 : vector<16xf32> to vector<16xf32>
    tpu.vector_store %arg6[%swap3A_109], %swap3A_112 {strides = array<i32>} : memref<640xf32, #tpu.memory_space<vmem>>, vector<16xf32>,
    %broadcast_in_dim3A_113 = arith.constant 0.000000e+00 : f32
    %broadcast_in_dim3A_114 = vector.broadcast %broadcast_in_dim3A_113 : f32 to vector<16xf32>
    %swap3A_115 = arith.constant 224 : index
    %swap3A_116 = tpu.vector_load %arg6[%swap3A_115] {strides = array<i32>} : memref<640xf32, #tpu.memory_space<vmem>>, vector<16xf32>,
    %swap3A_117 = vector.shape_cast %swap3A_116 : vector<16xf32> to vector<16xf32>
    %swap3A_118 = vector.shape_cast %broadcast_in_dim3A_114 : vector<16xf32> to vector<16xf32>
    tpu.vector_store %arg6[%swap3A_115], %swap3A_118 {strides = array<i32>} : memref<640xf32, #tpu.memory_space<vmem>>, vector<16xf32>,
    %broadcast_in_dim3A_119 = arith.constant 0.000000e+00 : f32
    %broadcast_in_dim3A_120 = vector.broadcast %broadcast_in_dim3A_119 : f32 to vector<16xf32>
    %swap3A_121 = arith.constant 240 : index
    %swap3A_122 = tpu.vector_load %arg6[%swap3A_121] {strides = array<i32>} : memref<640xf32, #tpu.memory_space<vmem>>, vector<16xf32>,
    %swap3A_123 = vector.shape_cast %swap3A_122 : vector<16xf32> to vector<16xf32>
    %swap3A_124 = vector.shape_cast %broadcast_in_dim3A_120 : vector<16xf32> to vector<16xf32>
    tpu.vector_store %arg6[%swap3A_121], %swap3A_124 {strides = array<i32>} : memref<640xf32, #tpu.memory_space<vmem>>, vector<16xf32>,
    %broadcast_in_dim3A_125 = arith.constant 0.000000e+00 : f32
    %broadcast_in_dim3A_126 = vector.broadcast %broadcast_in_dim3A_125 : f32 to vector<16xf32>
    %swap3A_127 = arith.constant 256 : index
    %swap3A_128 = tpu.vector_load %arg6[%swap3A_127] {strides = array<i32>} : memref<640xf32, #tpu.memory_space<vmem>>, vector<16xf32>,
    %swap3A_129 = vector.shape_cast %swap3A_128 : vector<16xf32> to vector<16xf32>
    %swap3A_130 = vector.shape_cast %broadcast_in_dim3A_126 : vector<16xf32> to vector<16xf32>
    tpu.vector_store %arg6[%swap3A_127], %swap3A_130 {strides = array<i32>} : memref<640xf32, #tpu.memory_space<vmem>>, vector<16xf32>,
    %broadcast_in_dim3A_131 = arith.constant 0.000000e+00 : f32
    %broadcast_in_dim3A_132 = vector.broadcast %broadcast_in_dim3A_131 : f32 to vector<16xf32>
    %swap3A_133 = arith.constant 272 : index
    %swap3A_134 = tpu.vector_load %arg6[%swap3A_133] {strides = array<i32>} : memref<640xf32, #tpu.memory_space<vmem>>, vector<16xf32>,
    %swap3A_135 = vector.shape_cast %swap3A_134 : vector<16xf32> to vector<16xf32>
    %swap3A_136 = vector.shape_cast %broadcast_in_dim3A_132 : vector<16xf32> to vector<16xf32>
    tpu.vector_store %arg6[%swap3A_133], %swap3A_136 {strides = array<i32>} : memref<640xf32, #tpu.memory_space<vmem>>, vector<16xf32>,
    %broadcast_in_dim3A_137 = arith.constant 0.000000e+00 : f32
    %broadcast_in_dim3A_138 = vector.broadcast %broadcast_in_dim3A_137 : f32 to vector<16xf32>
    %swap3A_139 = arith.constant 288 : index
    %swap3A_140 = tpu.vector_load %arg6[%swap3A_139] {strides = array<i32>} : memref<640xf32, #tpu.memory_space<vmem>>, vector<16xf32>,
    %swap3A_141 = vector.shape_cast %swap3A_140 : vector<16xf32> to vector<16xf32>
    %swap3A_142 = vector.shape_cast %broadcast_in_dim3A_138 : vector<16xf32> to vector<16xf32>
    tpu.vector_store %arg6[%swap3A_139], %swap3A_142 {strides = array<i32>} : memref<640xf32, #tpu.memory_space<vmem>>, vector<16xf32>,
    %broadcast_in_dim3A_143 = arith.constant 0.000000e+00 : f32
    %broadcast_in_dim3A_144 = vector.broadcast %broadcast_in_dim3A_143 : f32 to vector<16xf32>
    %swap3A_145 = arith.constant 304 : index
    %swap3A_146 = tpu.vector_load %arg6[%swap3A_145] {strides = array<i32>} : memref<640xf32, #tpu.memory_space<vmem>>, vector<16xf32>,
    %swap3A_147 = vector.shape_cast %swap3A_146 : vector<16xf32> to vector<16xf32>
    %swap3A_148 = vector.shape_cast %broadcast_in_dim3A_144 : vector<16xf32> to vector<16xf32>
    tpu.vector_store %arg6[%swap3A_145], %swap3A_148 {strides = array<i32>} : memref<640xf32, #tpu.memory_space<vmem>>, vector<16xf32>,
    %broadcast_in_dim3A_149 = arith.constant 0.000000e+00 : f32
    %broadcast_in_dim3A_150 = vector.broadcast %broadcast_in_dim3A_149 : f32 to vector<16xf32>
    %swap3A_151 = arith.constant 320 : index
    %swap3A_152 = tpu.vector_load %arg6[%swap3A_151] {strides = array<i32>} : memref<640xf32, #tpu.memory_space<vmem>>, vector<16xf32>,
    %swap3A_153 = vector.shape_cast %swap3A_152 : vector<16xf32> to vector<16xf32>
    %swap3A_154 = vector.shape_cast %broadcast_in_dim3A_150 : vector<16xf32> to vector<16xf32>
    tpu.vector_store %arg6[%swap3A_151], %swap3A_154 {strides = array<i32>} : memref<640xf32, #tpu.memory_space<vmem>>, vector<16xf32>,
    %broadcast_in_dim3A_155 = arith.constant 0.000000e+00 : f32
    %broadcast_in_dim3A_156 = vector.broadcast %broadcast_in_dim3A_155 : f32 to vector<16xf32>
    %swap3A_157 = arith.constant 336 : index
    %swap3A_158 = tpu.vector_load %arg6[%swap3A_157] {strides = array<i32>} : memref<640xf32, #tpu.memory_space<vmem>>, vector<16xf32>,
    %swap3A_159 = vector.shape_cast %swap3A_158 : vector<16xf32> to vector<16xf32>
    %swap3A_160 = vector.shape_cast %broadcast_in_dim3A_156 : vector<16xf32> to vector<16xf32>
    tpu.vector_store %arg6[%swap3A_157], %swap3A_160 {strides = array<i32>} : memref<640xf32, #tpu.memory_space<vmem>>, vector<16xf32>,
    %broadcast_in_dim3A_161 = arith.constant 0.000000e+00 : f32
    %broadcast_in_dim3A_162 = vector.broadcast %broadcast_in_dim3A_161 : f32 to vector<16xf32>
    %swap3A_163 = arith.constant 352 : index
    %swap3A_164 = tpu.vector_load %arg6[%swap3A_163] {strides = array<i32>} : memref<640xf32, #tpu.memory_space<vmem>>, vector<16xf32>,
    %swap3A_165 = vector.shape_cast %swap3A_164 : vector<16xf32> to vector<16xf32>
    %swap3A_166 = vector.shape_cast %broadcast_in_dim3A_162 : vector<16xf32> to vector<16xf32>
    tpu.vector_store %arg6[%swap3A_163], %swap3A_166 {strides = array<i32>} : memref<640xf32, #tpu.memory_space<vmem>>, vector<16xf32>,
    %broadcast_in_dim3A_167 = arith.constant 0.000000e+00 : f32
    %broadcast_in_dim3A_168 = vector.broadcast %broadcast_in_dim3A_167 : f32 to vector<16xf32>
    %swap3A_169 = arith.constant 368 : index
    %swap3A_170 = tpu.vector_load %arg6[%swap3A_169] {strides = array<i32>} : memref<640xf32, #tpu.memory_space<vmem>>, vector<16xf32>,
    %swap3A_171 = vector.shape_cast %swap3A_170 : vector<16xf32> to vector<16xf32>
    %swap3A_172 = vector.shape_cast %broadcast_in_dim3A_168 : vector<16xf32> to vector<16xf32>
    tpu.vector_store %arg6[%swap3A_169], %swap3A_172 {strides = array<i32>} : memref<640xf32, #tpu.memory_space<vmem>>, vector<16xf32>,
    %broadcast_in_dim3A_173 = arith.constant 0.000000e+00 : f32
    %broadcast_in_dim3A_174 = vector.broadcast %broadcast_in_dim3A_173 : f32 to vector<16xf32>
    %swap3A_175 = arith.constant 384 : index
    %swap3A_176 = tpu.vector_load %arg6[%swap3A_175] {strides = array<i32>} : memref<640xf32, #tpu.memory_space<vmem>>, vector<16xf32>,
    %swap3A_177 = vector.shape_cast %swap3A_176 : vector<16xf32> to vector<16xf32>
    %swap3A_178 = vector.shape_cast %broadcast_in_dim3A_174 : vector<16xf32> to vector<16xf32>
    tpu.vector_store %arg6[%swap3A_175], %swap3A_178 {strides = array<i32>} : memref<640xf32, #tpu.memory_space<vmem>>, vector<16xf32>,
    %broadcast_in_dim3A_179 = arith.constant 0.000000e+00 : f32
    %broadcast_in_dim3A_180 = vector.broadcast %broadcast_in_dim3A_179 : f32 to vector<16xf32>
    %swap3A_181 = arith.constant 400 : index
    %swap3A_182 = tpu.vector_load %arg6[%swap3A_181] {strides = array<i32>} : memref<640xf32, #tpu.memory_space<vmem>>, vector<16xf32>,
    %swap3A_183 = vector.shape_cast %swap3A_182 : vector<16xf32> to vector<16xf32>
    %swap3A_184 = vector.shape_cast %broadcast_in_dim3A_180 : vector<16xf32> to vector<16xf32>
    tpu.vector_store %arg6[%swap3A_181], %swap3A_184 {strides = array<i32>} : memref<640xf32, #tpu.memory_space<vmem>>, vector<16xf32>,
    %broadcast_in_dim3A_185 = arith.constant 0.000000e+00 : f32
    %broadcast_in_dim3A_186 = vector.broadcast %broadcast_in_dim3A_185 : f32 to vector<16xf32>
    %swap3A_187 = arith.constant 416 : index
    %swap3A_188 = tpu.vector_load %arg6[%swap3A_187] {strides = array<i32>} : memref<640xf32, #tpu.memory_space<vmem>>, vector<16xf32>,
    %swap3A_189 = vector.shape_cast %swap3A_188 : vector<16xf32> to vector<16xf32>
    %swap3A_190 = vector.shape_cast %broadcast_in_dim3A_186 : vector<16xf32> to vector<16xf32>
    tpu.vector_store %arg6[%swap3A_187], %swap3A_190 {strides = array<i32>} : memref<640xf32, #tpu.memory_space<vmem>>, vector<16xf32>,
    %broadcast_in_dim3A_191 = arith.constant 0.000000e+00 : f32
    %broadcast_in_dim3A_192 = vector.broadcast %broadcast_in_dim3A_191 : f32 to vector<16xf32>
    %swap3A_193 = arith.constant 432 : index
    %swap3A_194 = tpu.vector_load %arg6[%swap3A_193] {strides = array<i32>} : memref<640xf32, #tpu.memory_space<vmem>>, vector<16xf32>,
    %swap3A_195 = vector.shape_cast %swap3A_194 : vector<16xf32> to vector<16xf32>
    %swap3A_196 = vector.shape_cast %broadcast_in_dim3A_192 : vector<16xf32> to vector<16xf32>
    tpu.vector_store %arg6[%swap3A_193], %swap3A_196 {strides = array<i32>} : memref<640xf32, #tpu.memory_space<vmem>>, vector<16xf32>,
    %broadcast_in_dim3A_197 = arith.constant 0.000000e+00 : f32
    %broadcast_in_dim3A_198 = vector.broadcast %broadcast_in_dim3A_197 : f32 to vector<16xf32>
    %swap3A_199 = arith.constant 448 : index
    %swap3A_200 = tpu.vector_load %arg6[%swap3A_199] {strides = array<i32>} : memref<640xf32, #tpu.memory_space<vmem>>, vector<16xf32>,
    %swap3A_201 = vector.shape_cast %swap3A_200 : vector<16xf32> to vector<16xf32>
    %swap3A_202 = vector.shape_cast %broadcast_in_dim3A_198 : vector<16xf32> to vector<16xf32>
    tpu.vector_store %arg6[%swap3A_199], %swap3A_202 {strides = array<i32>} : memref<640xf32, #tpu.memory_space<vmem>>, vector<16xf32>,
    %broadcast_in_dim3A_203 = arith.constant 0.000000e+00 : f32
    %broadcast_in_dim3A_204 = vector.broadcast %broadcast_in_dim3A_203 : f32 to vector<16xf32>
    %swap3A_205 = arith.constant 464 : index
    %swap3A_206 = tpu.vector_load %arg6[%swap3A_205] {strides = array<i32>} : memref<640xf32, #tpu.memory_space<vmem>>, vector<16xf32>,
    %swap3A_207 = vector.shape_cast %swap3A_206 : vector<16xf32> to vector<16xf32>
    %swap3A_208 = vector.shape_cast %broadcast_in_dim3A_204 : vector<16xf32> to vector<16xf32>
    tpu.vector_store %arg6[%swap3A_205], %swap3A_208 {strides = array<i32>} : memref<640xf32, #tpu.memory_space<vmem>>, vector<16xf32>,
    %broadcast_in_dim3A_209 = arith.constant 0.000000e+00 : f32
    %broadcast_in_dim3A_210 = vector.broadcast %broadcast_in_dim3A_209 : f32 to vector<16xf32>
    %swap3A_211 = arith.constant 480 : index
    %swap3A_212 = tpu.vector_load %arg6[%swap3A_211] {strides = array<i32>} : memref<640xf32, #tpu.memory_space<vmem>>, vector<16xf32>,
    %swap3A_213 = vector.shape_cast %swap3A_212 : vector<16xf32> to vector<16xf32>
    %swap3A_214 = vector.shape_cast %broadcast_in_dim3A_210 : vector<16xf32> to vector<16xf32>
    tpu.vector_store %arg6[%swap3A_211], %swap3A_214 {strides = array<i32>} : memref<640xf32, #tpu.memory_space<vmem>>, vector<16xf32>,
    %broadcast_in_dim3A_215 = arith.constant 0.000000e+00 : f32
    %broadcast_in_dim3A_216 = vector.broadcast %broadcast_in_dim3A_215 : f32 to vector<16xf32>
    %swap3A_217 = arith.constant 496 : index
    %swap3A_218 = tpu.vector_load %arg6[%swap3A_217] {strides = array<i32>} : memref<640xf32, #tpu.memory_space<vmem>>, vector<16xf32>,
    %swap3A_219 = vector.shape_cast %swap3A_218 : vector<16xf32> to vector<16xf32>
    %swap3A_220 = vector.shape_cast %broadcast_in_dim3A_216 : vector<16xf32> to vector<16xf32>
    tpu.vector_store %arg6[%swap3A_217], %swap3A_220 {strides = array<i32>} : memref<640xf32, #tpu.memory_space<vmem>>, vector<16xf32>,
    %broadcast_in_dim3A_221 = arith.constant 0.000000e+00 : f32
    %broadcast_in_dim3A_222 = vector.broadcast %broadcast_in_dim3A_221 : f32 to vector<16xf32>
    %swap3A_223 = arith.constant 512 : index
    %swap3A_224 = tpu.vector_load %arg6[%swap3A_223] {strides = array<i32>} : memref<640xf32, #tpu.memory_space<vmem>>, vector<16xf32>,
    %swap3A_225 = vector.shape_cast %swap3A_224 : vector<16xf32> to vector<16xf32>
    %swap3A_226 = vector.shape_cast %broadcast_in_dim3A_222 : vector<16xf32> to vector<16xf32>
    tpu.vector_store %arg6[%swap3A_223], %swap3A_226 {strides = array<i32>} : memref<640xf32, #tpu.memory_space<vmem>>, vector<16xf32>,
    %broadcast_in_dim3A_227 = arith.constant 0.000000e+00 : f32
    %broadcast_in_dim3A_228 = vector.broadcast %broadcast_in_dim3A_227 : f32 to vector<16xf32>
    %swap3A_229 = arith.constant 528 : index
    %swap3A_230 = tpu.vector_load %arg6[%swap3A_229] {strides = array<i32>} : memref<640xf32, #tpu.memory_space<vmem>>, vector<16xf32>,
    %swap3A_231 = vector.shape_cast %swap3A_230 : vector<16xf32> to vector<16xf32>
    %swap3A_232 = vector.shape_cast %broadcast_in_dim3A_228 : vector<16xf32> to vector<16xf32>
    tpu.vector_store %arg6[%swap3A_229], %swap3A_232 {strides = array<i32>} : memref<640xf32, #tpu.memory_space<vmem>>, vector<16xf32>,
    %broadcast_in_dim3A_233 = arith.constant 0.000000e+00 : f32
    %broadcast_in_dim3A_234 = vector.broadcast %broadcast_in_dim3A_233 : f32 to vector<16xf32>
    %swap3A_235 = arith.constant 544 : index
    %swap3A_236 = tpu.vector_load %arg6[%swap3A_235] {strides = array<i32>} : memref<640xf32, #tpu.memory_space<vmem>>, vector<16xf32>,
    %swap3A_237 = vector.shape_cast %swap3A_236 : vector<16xf32> to vector<16xf32>
    %swap3A_238 = vector.shape_cast %broadcast_in_dim3A_234 : vector<16xf32> to vector<16xf32>
    tpu.vector_store %arg6[%swap3A_235], %swap3A_238 {strides = array<i32>} : memref<640xf32, #tpu.memory_space<vmem>>, vector<16xf32>,
    %broadcast_in_dim3A_239 = arith.constant 0.000000e+00 : f32
    %broadcast_in_dim3A_240 = vector.broadcast %broadcast_in_dim3A_239 : f32 to vector<16xf32>
    %swap3A_241 = arith.constant 560 : index
    %swap3A_242 = tpu.vector_load %arg6[%swap3A_241] {strides = array<i32>} : memref<640xf32, #tpu.memory_space<vmem>>, vector<16xf32>,
    %swap3A_243 = vector.shape_cast %swap3A_242 : vector<16xf32> to vector<16xf32>
    %swap3A_244 = vector.shape_cast %broadcast_in_dim3A_240 : vector<16xf32> to vector<16xf32>
    tpu.vector_store %arg6[%swap3A_241], %swap3A_244 {strides = array<i32>} : memref<640xf32, #tpu.memory_space<vmem>>, vector<16xf32>,
    %broadcast_in_dim3A_245 = arith.constant 0.000000e+00 : f32
    %broadcast_in_dim3A_246 = vector.broadcast %broadcast_in_dim3A_245 : f32 to vector<16xf32>
    %swap3A_247 = arith.constant 576 : index
    %swap3A_248 = tpu.vector_load %arg6[%swap3A_247] {strides = array<i32>} : memref<640xf32, #tpu.memory_space<vmem>>, vector<16xf32>,
    %swap3A_249 = vector.shape_cast %swap3A_248 : vector<16xf32> to vector<16xf32>
    %swap3A_250 = vector.shape_cast %broadcast_in_dim3A_246 : vector<16xf32> to vector<16xf32>
    tpu.vector_store %arg6[%swap3A_247], %swap3A_250 {strides = array<i32>} : memref<640xf32, #tpu.memory_space<vmem>>, vector<16xf32>,
    %broadcast_in_dim3A_251 = arith.constant 0.000000e+00 : f32
    %broadcast_in_dim3A_252 = vector.broadcast %broadcast_in_dim3A_251 : f32 to vector<16xf32>
    %swap3A_253 = arith.constant 592 : index
    %swap3A_254 = tpu.vector_load %arg6[%swap3A_253] {strides = array<i32>} : memref<640xf32, #tpu.memory_space<vmem>>, vector<16xf32>,
    %swap3A_255 = vector.shape_cast %swap3A_254 : vector<16xf32> to vector<16xf32>
    %swap3A_256 = vector.shape_cast %broadcast_in_dim3A_252 : vector<16xf32> to vector<16xf32>
    tpu.vector_store %arg6[%swap3A_253], %swap3A_256 {strides = array<i32>} : memref<640xf32, #tpu.memory_space<vmem>>, vector<16xf32>,
    %broadcast_in_dim3A_257 = arith.constant 0.000000e+00 : f32
    %broadcast_in_dim3A_258 = vector.broadcast %broadcast_in_dim3A_257 : f32 to vector<16xf32>
    %swap3A_259 = arith.constant 608 : index
    %swap3A_260 = tpu.vector_load %arg6[%swap3A_259] {strides = array<i32>} : memref<640xf32, #tpu.memory_space<vmem>>, vector<16xf32>,
    %swap3A_261 = vector.shape_cast %swap3A_260 : vector<16xf32> to vector<16xf32>
    %swap3A_262 = vector.shape_cast %broadcast_in_dim3A_258 : vector<16xf32> to vector<16xf32>
    tpu.vector_store %arg6[%swap3A_259], %swap3A_262 {strides = array<i32>} : memref<640xf32, #tpu.memory_space<vmem>>, vector<16xf32>,
    %broadcast_in_dim3A_263 = arith.constant 0.000000e+00 : f32
    %broadcast_in_dim3A_264 = vector.broadcast %broadcast_in_dim3A_263 : f32 to vector<16xf32>
    %swap3A_265 = arith.constant 624 : index
    %swap3A_266 = tpu.vector_load %arg6[%swap3A_265] {strides = array<i32>} : memref<640xf32, #tpu.memory_space<vmem>>, vector<16xf32>,
    %swap3A_267 = vector.shape_cast %swap3A_266 : vector<16xf32> to vector<16xf32>
    %swap3A_268 = vector.shape_cast %broadcast_in_dim3A_264 : vector<16xf32> to vector<16xf32>
    tpu.vector_store %arg6[%swap3A_265], %swap3A_268 {strides = array<i32>} : memref<640xf32, #tpu.memory_space<vmem>>, vector<16xf32>,
    %mul3A_269 = arith.constant 640 : i32
    %mul3A_270 = arith.muli %arg1, %mul3A_269 : i32
    "tpu.region"() ({
      %run_scoped3A = tpu.sem_alloc : memref<!tpu.dma_semaphore, #tpu.memory_space<semaphore_mem>>
      %dma_start3A = tpu.memref_slice %arg7[%mul3A_270] : memref<10240xf32, #tpu.memory_space<vmem_shared>> -> memref<640xf32, #tpu.memory_space<vmem_shared>>
      %dma_start3A_279 = tpu.memref_slice %arg7[%mul3A_270] : memref<10240xf32, #tpu.memory_space<vmem_shared>> -> memref<640xf32, #tpu.memory_space<vmem_shared>>
      tpu.enqueue_dma source(%arg6 : memref<640xf32, #tpu.memory_space<vmem>>) target(%dma_start3A_279 : memref<640xf32, #tpu.memory_space<vmem_shared>>) target_semaphore(%run_scoped3A : memref<!tpu.dma_semaphore, #tpu.memory_space<semaphore_mem>>)
      %dma_wait3A = tpu.memref_slice %arg7[%mul3A_270] : memref<10240xf32, #tpu.memory_space<vmem_shared>> -> memref<640xf32, #tpu.memory_space<vmem_shared>>
      %dma_wait3A_280 = tpu.memref_slice %arg7[%mul3A_270] : memref<10240xf32, #tpu.memory_space<vmem_shared>> -> memref<640xf32, #tpu.memory_space<vmem_shared>>
      tpu.wait_dma2 semaphore(%run_scoped3A : memref<!tpu.dma_semaphore, #tpu.memory_space<semaphore_mem>>) src(%arg6 : memref<640xf32, #tpu.memory_space<vmem>>) dst(%dma_wait3A_280 : memref<640xf32, #tpu.memory_space<vmem_shared>>)
      tpu.yield
    }) : () -> ()
    %barrier3A = arith.constant 0 : index
    tpu.barrier barrier_id(%barrier3A)
    "tpu.region"() ({
      %run_scoped3A = tpu.sem_alloc : memref<!tpu.dma_semaphore, #tpu.memory_space<semaphore_mem>>
      %dma_start3A = arith.constant 0 : i32
      %dma_start3A_279 = arith.constant 0 : i32
      %dma_start3A_280 = tpu.memref_slice %arg2[%add3A, %dma_start3A, %dma_start3A_279] : memref<32x125x80xi32, #tpu.memory_space<hbm>> -> memref<1x125x80xi32, #tpu.memory_space<hbm>>
      %dma_start3A_281 = tpu.memref_squeeze %dma_start3A_280 : memref<1x125x80xi32, #tpu.memory_space<hbm>> -> memref<125x80xi32, #tpu.memory_space<hbm>>
      %dma_start3A_282 = arith.constant 0 : i32
      %dma_start3A_283 = arith.constant 0 : i32
      %dma_start3A_284 = tpu.memref_slice %arg2[%add3A, %dma_start3A_282, %dma_start3A_283] : memref<32x125x80xi32, #tpu.memory_space<hbm>> -> memref<1x125x80xi32, #tpu.memory_space<hbm>>
      %dma_start3A_285 = tpu.memref_squeeze %dma_start3A_284 : memref<1x125x80xi32, #tpu.memory_space<hbm>> -> memref<125x80xi32, #tpu.memory_space<hbm>>
      tpu.enqueue_dma source(%dma_start3A_285 : memref<125x80xi32, #tpu.memory_space<hbm>>) target(%arg4 : memref<125x80xi32, #tpu.memory_space<vmem>>) target_semaphore(%run_scoped3A : memref<!tpu.dma_semaphore, #tpu.memory_space<semaphore_mem>>)
      %dma_wait3A = arith.constant 0 : i32
      %dma_wait3A_286 = arith.constant 0 : i32
      %dma_wait3A_287 = tpu.memref_slice %arg2[%add3A, %dma_wait3A, %dma_wait3A_286] : memref<32x125x80xi32, #tpu.memory_space<hbm>> -> memref<1x125x80xi32, #tpu.memory_space<hbm>>
      %dma_wait3A_288 = tpu.memref_squeeze %dma_wait3A_287 : memref<1x125x80xi32, #tpu.memory_space<hbm>> -> memref<125x80xi32, #tpu.memory_space<hbm>>
      %dma_wait3A_289 = arith.constant 0 : i32
      %dma_wait3A_290 = arith.constant 0 : i32
      %dma_wait3A_291 = tpu.memref_slice %arg2[%add3A, %dma_wait3A_289, %dma_wait3A_290] : memref<32x125x80xi32, #tpu.memory_space<hbm>> -> memref<1x125x80xi32, #tpu.memory_space<hbm>>
      %dma_wait3A_292 = tpu.memref_squeeze %dma_wait3A_291 : memref<1x125x80xi32, #tpu.memory_space<hbm>> -> memref<125x80xi32, #tpu.memory_space<hbm>>
      tpu.wait_dma2 semaphore(%run_scoped3A : memref<!tpu.dma_semaphore, #tpu.memory_space<semaphore_mem>>) src(%dma_wait3A_292 : memref<125x80xi32, #tpu.memory_space<hbm>>) dst(%arg4 : memref<125x80xi32, #tpu.memory_space<vmem>>)
      tpu.yield
    }) : () -> ()
    %scan3A = arith.constant 0 : i32
    %scan3A_271 = arith.constant 0 : i32
    %scan3A_272 = arith.constant 125 : i32
    %scan3A_273 = arith.addi %scan3A_271, %scan3A_272 : i32
    %scan3A_274 = arith.constant 1 : i32
    scf.for %scan3A_279 = %scan3A_271 to %scan3A_273 step %scan3A_274  : i32 {
      "tpu.region"() ({
        %run_scoped3A = tpu.sem_alloc : memref<!tpu.dma_semaphore, #tpu.memory_space<semaphore_mem>>
        %dma_start3A = arith.constant 0 : i32
        %dma_start3A_280 = tpu.memref_slice %arg4[%scan3A_279, %dma_start3A] : memref<125x80xi32, #tpu.memory_space<vmem>> -> memref<1x80xi32, #tpu.memory_space<vmem>>
        %dma_start3A_281 = tpu.memref_squeeze %dma_start3A_280 : memref<1x80xi32, #tpu.memory_space<vmem>> -> memref<80xi32, #tpu.memory_space<vmem>>
        %dma_start3A_282 = arith.constant 0 : i32
        %dma_start3A_283 = tpu.memref_slice %arg7[%dma_start3A_282] : memref<10240xf32, #tpu.memory_space<vmem_shared>> -> memref<10240xf32, #tpu.memory_space<vmem_shared>>
        tpu.enqueue_indirect_dma source(%arg5 : memref<80xf32, #tpu.memory_space<vmem>>) target(%dma_start3A_283 : memref<10240xf32, #tpu.memory_space<vmem_shared>>) offsets(%dma_start3A_281 : memref<80xi32, #tpu.memory_space<vmem>>) semaphore(%run_scoped3A : memref<!tpu.dma_semaphore, #tpu.memory_space<semaphore_mem>>) {add = true}
        %dma_wait3A = arith.constant 0 : i32
        %dma_wait3A_284 = tpu.memref_slice %arg4[%scan3A_279, %dma_wait3A] : memref<125x80xi32, #tpu.memory_space<vmem>> -> memref<1x80xi32, #tpu.memory_space<vmem>>
        %dma_wait3A_285 = tpu.memref_squeeze %dma_wait3A_284 : memref<1x80xi32, #tpu.memory_space<vmem>> -> memref<80xi32, #tpu.memory_space<vmem>>
        %dma_wait3A_286 = arith.constant 0 : i32
        %dma_wait3A_287 = tpu.memref_slice %arg7[%dma_wait3A_286] : memref<10240xf32, #tpu.memory_space<vmem_shared>> -> memref<10240xf32, #tpu.memory_space<vmem_shared>>
        tpu.wait_indirect_dma semaphore(%run_scoped3A : memref<!tpu.dma_semaphore, #tpu.memory_space<semaphore_mem>>) src(%arg5 : memref<80xf32, #tpu.memory_space<vmem>>) dst(%dma_wait3A_287 : memref<10240xf32, #tpu.memory_space<vmem_shared>>)
        tpu.yield
      }) : () -> ()
    }
    %scan3A_275 = arith.constant 125 : i32
    %barrier3A_276 = arith.constant 0 : index
    tpu.barrier barrier_id(%barrier3A_276)
    %mul3A_277 = arith.constant 640 : i32
    %mul3A_278 = arith.muli %arg1, %mul3A_277 : i32
    "tpu.region"() ({
      %run_scoped3A = tpu.sem_alloc : memref<!tpu.dma_semaphore, #tpu.memory_space<semaphore_mem>>
      %dma_start3A = tpu.memref_slice %arg7[%mul3A_278] : memref<10240xf32, #tpu.memory_space<vmem_shared>> -> memref<640xf32, #tpu.memory_space<vmem_shared>>
      %dma_start3A_279 = tpu.memref_slice %arg7[%mul3A_278] : memref<10240xf32, #tpu.memory_space<vmem_shared>> -> memref<640xf32, #tpu.memory_space<vmem_shared>>
      tpu.enqueue_dma source(%dma_start3A_279 : memref<640xf32, #tpu.memory_space<vmem_shared>>) target(%arg6 : memref<640xf32, #tpu.memory_space<vmem>>) target_semaphore(%run_scoped3A : memref<!tpu.dma_semaphore, #tpu.memory_space<semaphore_mem>>)
      %dma_wait3A = tpu.memref_slice %arg7[%mul3A_278] : memref<10240xf32, #tpu.memory_space<vmem_shared>> -> memref<640xf32, #tpu.memory_space<vmem_shared>>
      %dma_wait3A_280 = tpu.memref_slice %arg7[%mul3A_278] : memref<10240xf32, #tpu.memory_space<vmem_shared>> -> memref<640xf32, #tpu.memory_space<vmem_shared>>
      tpu.wait_dma2 semaphore(%run_scoped3A : memref<!tpu.dma_semaphore, #tpu.memory_space<semaphore_mem>>) src(%dma_wait3A_280 : memref<640xf32, #tpu.memory_space<vmem_shared>>) dst(%arg6 : memref<640xf32, #tpu.memory_space<vmem>>)
      tpu.yield
    }) : () -> ()
    "tpu.region"() ({
      %run_scoped3A = tpu.sem_alloc : memref<!tpu.dma_semaphore, #tpu.memory_space<semaphore_mem>>
      %dma_start3A = tpu.memref_slice %arg3[%arg0, %mul3A_278] : memref<2x10240xf32, #tpu.memory_space<hbm>> -> memref<1x640xf32, #tpu.memory_space<hbm>>
      %dma_start3A_279 = tpu.memref_squeeze %dma_start3A : memref<1x640xf32, #tpu.memory_space<hbm>> -> memref<640xf32, #tpu.memory_space<hbm>>
      %dma_start3A_280 = tpu.memref_slice %arg3[%arg0, %mul3A_278] : memref<2x10240xf32, #tpu.memory_space<hbm>> -> memref<1x640xf32, #tpu.memory_space<hbm>>
      %dma_start3A_281 = tpu.memref_squeeze %dma_start3A_280 : memref<1x640xf32, #tpu.memory_space<hbm>> -> memref<640xf32, #tpu.memory_space<hbm>>
      tpu.enqueue_dma source(%arg6 : memref<640xf32, #tpu.memory_space<vmem>>) target(%dma_start3A_281 : memref<640xf32, #tpu.memory_space<hbm>>) target_semaphore(%run_scoped3A : memref<!tpu.dma_semaphore, #tpu.memory_space<semaphore_mem>>)
      %dma_wait3A = tpu.memref_slice %arg3[%arg0, %mul3A_278] : memref<2x10240xf32, #tpu.memory_space<hbm>> -> memref<1x640xf32, #tpu.memory_space<hbm>>
      %dma_wait3A_282 = tpu.memref_squeeze %dma_wait3A : memref<1x640xf32, #tpu.memory_space<hbm>> -> memref<640xf32, #tpu.memory_space<hbm>>
      %dma_wait3A_283 = tpu.memref_slice %arg3[%arg0, %mul3A_278] : memref<2x10240xf32, #tpu.memory_space<hbm>> -> memref<1x640xf32, #tpu.memory_space<hbm>>
      %dma_wait3A_284 = tpu.memref_squeeze %dma_wait3A_283 : memref<1x640xf32, #tpu.memory_space<hbm>> -> memref<640xf32, #tpu.memory_space<hbm>>
      tpu.wait_dma2 semaphore(%run_scoped3A : memref<!tpu.dma_semaphore, #tpu.memory_space<semaphore_mem>>) src(%arg6 : memref<640xf32, #tpu.memory_space<vmem>>) dst(%dma_wait3A_284 : memref<640xf32, #tpu.memory_space<hbm>>)
      tpu.yield
    }) : () -> ()
    return
  }
}

#map = affine_map<(d0, d1) -> (0, 0)>
#map1 = affine_map<(d0, d1) -> (0, 0, 0)>
module attributes {stable_mosaic.version = 14 : i64} {
  func.func @_agg_kernel(%arg0: i32, %arg1: i32, %arg2: memref<10000x128xf32, #tpu.memory_space<hbm>>, %arg3: memref<32x79x128xi32, #tpu.memory_space<hbm>>, %arg4: memref<32x157x64xi32, #tpu.memory_space<hbm>>, %arg5: memref<32x13x128xi32, #tpu.memory_space<hbm>>, %arg6: memref<32x25x64xi32, #tpu.memory_space<hbm>>, %arg7: memref<2x10240x128xf32, #tpu.memory_space<hbm>>, %arg8: memref<79x128xi32, #tpu.memory_space<vmem>>, %arg9: memref<157x64xi32, #tpu.memory_space<vmem>>, %arg10: memref<128x128xf32, #tpu.memory_space<vmem>>, %arg11: memref<10240x128xf32, #tpu.memory_space<vmem_shared>>, %arg12: memref<!tpu.dma_semaphore, #tpu.memory_space<semaphore_mem>>, %arg13: memref<!tpu.dma_semaphore, #tpu.memory_space<semaphore_mem>>) attributes {dimension_semantics = [#tpu.dimension_semantics<core_parallel>, #tpu.dimension_semantics<subcore_parallel>], iteration_bounds = array<i64: 2, 16>, scalar_prefetch = 0 : i64, scratch_operands = 6 : i64, tpu.core_type = #tpu.core_type<sc_vector_subcore>, window_params = [{transform_indices = #map}, {transform_indices = #map1}, {transform_indices = #map1}, {transform_indices = #map1}, {transform_indices = #map1}, {transform_indices = #map1}]} {
    %mul3A = arith.constant 2 : i32
    %mul3A_0 = arith.muli %arg1, %mul3A : i32
    %add3A = arith.addi %mul3A_0, %arg0 : i32
    %scan3A = arith.constant 0 : i32
    %scan3A_1 = arith.constant 0 : i32
    %scan3A_2 = arith.constant 128 : i32
    %scan3A_3 = arith.addi %scan3A_1, %scan3A_2 : i32
    %scan3A_4 = arith.constant 1 : i32
    scf.for %scan3A_62 = %scan3A_1 to %scan3A_3 step %scan3A_4  : i32 {
      %broadcast_in_dim3A = arith.constant 0.000000e+00 : f32
      %broadcast_in_dim3A_63 = vector.broadcast %broadcast_in_dim3A : f32 to vector<16xf32>
      %swap3A = arith.index_cast %scan3A_62 : i32 to index
      %swap3A_64 = arith.constant 0 : index
      %swap3A_65 = tpu.vector_load %arg10[%swap3A, %swap3A_64] {strides = array<i32>} : memref<128x128xf32, #tpu.memory_space<vmem>>, vector<1x16xf32>,
      %swap3A_66 = vector.shape_cast %swap3A_65 : vector<1x16xf32> to vector<16xf32>
      %swap3A_67 = vector.shape_cast %broadcast_in_dim3A_63 : vector<16xf32> to vector<1x16xf32>
      tpu.vector_store %arg10[%swap3A, %swap3A_64], %swap3A_67 {strides = array<i32>} : memref<128x128xf32, #tpu.memory_space<vmem>>, vector<1x16xf32>,
      %broadcast_in_dim3A_68 = arith.constant 0.000000e+00 : f32
      %broadcast_in_dim3A_69 = vector.broadcast %broadcast_in_dim3A_68 : f32 to vector<16xf32>
      %swap3A_70 = arith.index_cast %scan3A_62 : i32 to index
      %swap3A_71 = arith.constant 16 : index
      %swap3A_72 = tpu.vector_load %arg10[%swap3A_70, %swap3A_71] {strides = array<i32>} : memref<128x128xf32, #tpu.memory_space<vmem>>, vector<1x16xf32>,
      %swap3A_73 = vector.shape_cast %swap3A_72 : vector<1x16xf32> to vector<16xf32>
      %swap3A_74 = vector.shape_cast %broadcast_in_dim3A_69 : vector<16xf32> to vector<1x16xf32>
      tpu.vector_store %arg10[%swap3A_70, %swap3A_71], %swap3A_74 {strides = array<i32>} : memref<128x128xf32, #tpu.memory_space<vmem>>, vector<1x16xf32>,
      %broadcast_in_dim3A_75 = arith.constant 0.000000e+00 : f32
      %broadcast_in_dim3A_76 = vector.broadcast %broadcast_in_dim3A_75 : f32 to vector<16xf32>
      %swap3A_77 = arith.index_cast %scan3A_62 : i32 to index
      %swap3A_78 = arith.constant 32 : index
      %swap3A_79 = tpu.vector_load %arg10[%swap3A_77, %swap3A_78] {strides = array<i32>} : memref<128x128xf32, #tpu.memory_space<vmem>>, vector<1x16xf32>,
      %swap3A_80 = vector.shape_cast %swap3A_79 : vector<1x16xf32> to vector<16xf32>
      %swap3A_81 = vector.shape_cast %broadcast_in_dim3A_76 : vector<16xf32> to vector<1x16xf32>
      tpu.vector_store %arg10[%swap3A_77, %swap3A_78], %swap3A_81 {strides = array<i32>} : memref<128x128xf32, #tpu.memory_space<vmem>>, vector<1x16xf32>,
      %broadcast_in_dim3A_82 = arith.constant 0.000000e+00 : f32
      %broadcast_in_dim3A_83 = vector.broadcast %broadcast_in_dim3A_82 : f32 to vector<16xf32>
      %swap3A_84 = arith.index_cast %scan3A_62 : i32 to index
      %swap3A_85 = arith.constant 48 : index
      %swap3A_86 = tpu.vector_load %arg10[%swap3A_84, %swap3A_85] {strides = array<i32>} : memref<128x128xf32, #tpu.memory_space<vmem>>, vector<1x16xf32>,
      %swap3A_87 = vector.shape_cast %swap3A_86 : vector<1x16xf32> to vector<16xf32>
      %swap3A_88 = vector.shape_cast %broadcast_in_dim3A_83 : vector<16xf32> to vector<1x16xf32>
      tpu.vector_store %arg10[%swap3A_84, %swap3A_85], %swap3A_88 {strides = array<i32>} : memref<128x128xf32, #tpu.memory_space<vmem>>, vector<1x16xf32>,
      %broadcast_in_dim3A_89 = arith.constant 0.000000e+00 : f32
      %broadcast_in_dim3A_90 = vector.broadcast %broadcast_in_dim3A_89 : f32 to vector<16xf32>
      %swap3A_91 = arith.index_cast %scan3A_62 : i32 to index
      %swap3A_92 = arith.constant 64 : index
      %swap3A_93 = tpu.vector_load %arg10[%swap3A_91, %swap3A_92] {strides = array<i32>} : memref<128x128xf32, #tpu.memory_space<vmem>>, vector<1x16xf32>,
      %swap3A_94 = vector.shape_cast %swap3A_93 : vector<1x16xf32> to vector<16xf32>
      %swap3A_95 = vector.shape_cast %broadcast_in_dim3A_90 : vector<16xf32> to vector<1x16xf32>
      tpu.vector_store %arg10[%swap3A_91, %swap3A_92], %swap3A_95 {strides = array<i32>} : memref<128x128xf32, #tpu.memory_space<vmem>>, vector<1x16xf32>,
      %broadcast_in_dim3A_96 = arith.constant 0.000000e+00 : f32
      %broadcast_in_dim3A_97 = vector.broadcast %broadcast_in_dim3A_96 : f32 to vector<16xf32>
      %swap3A_98 = arith.index_cast %scan3A_62 : i32 to index
      %swap3A_99 = arith.constant 80 : index
      %swap3A_100 = tpu.vector_load %arg10[%swap3A_98, %swap3A_99] {strides = array<i32>} : memref<128x128xf32, #tpu.memory_space<vmem>>, vector<1x16xf32>,
      %swap3A_101 = vector.shape_cast %swap3A_100 : vector<1x16xf32> to vector<16xf32>
      %swap3A_102 = vector.shape_cast %broadcast_in_dim3A_97 : vector<16xf32> to vector<1x16xf32>
      tpu.vector_store %arg10[%swap3A_98, %swap3A_99], %swap3A_102 {strides = array<i32>} : memref<128x128xf32, #tpu.memory_space<vmem>>, vector<1x16xf32>,
      %broadcast_in_dim3A_103 = arith.constant 0.000000e+00 : f32
      %broadcast_in_dim3A_104 = vector.broadcast %broadcast_in_dim3A_103 : f32 to vector<16xf32>
      %swap3A_105 = arith.index_cast %scan3A_62 : i32 to index
      %swap3A_106 = arith.constant 96 : index
      %swap3A_107 = tpu.vector_load %arg10[%swap3A_105, %swap3A_106] {strides = array<i32>} : memref<128x128xf32, #tpu.memory_space<vmem>>, vector<1x16xf32>,
      %swap3A_108 = vector.shape_cast %swap3A_107 : vector<1x16xf32> to vector<16xf32>
      %swap3A_109 = vector.shape_cast %broadcast_in_dim3A_104 : vector<16xf32> to vector<1x16xf32>
      tpu.vector_store %arg10[%swap3A_105, %swap3A_106], %swap3A_109 {strides = array<i32>} : memref<128x128xf32, #tpu.memory_space<vmem>>, vector<1x16xf32>,
      %broadcast_in_dim3A_110 = arith.constant 0.000000e+00 : f32
      %broadcast_in_dim3A_111 = vector.broadcast %broadcast_in_dim3A_110 : f32 to vector<16xf32>
      %swap3A_112 = arith.index_cast %scan3A_62 : i32 to index
      %swap3A_113 = arith.constant 112 : index
      %swap3A_114 = tpu.vector_load %arg10[%swap3A_112, %swap3A_113] {strides = array<i32>} : memref<128x128xf32, #tpu.memory_space<vmem>>, vector<1x16xf32>,
      %swap3A_115 = vector.shape_cast %swap3A_114 : vector<1x16xf32> to vector<16xf32>
      %swap3A_116 = vector.shape_cast %broadcast_in_dim3A_111 : vector<16xf32> to vector<1x16xf32>
      tpu.vector_store %arg10[%swap3A_112, %swap3A_113], %swap3A_116 {strides = array<i32>} : memref<128x128xf32, #tpu.memory_space<vmem>>, vector<1x16xf32>,
    }
    %scan3A_5 = arith.constant 128 : i32
    %scan3A_6 = arith.constant 0 : i32
    %scan3A_7 = arith.constant 0 : i32
    %scan3A_8 = arith.constant 5 : i32
    %scan3A_9 = arith.addi %scan3A_7, %scan3A_8 : i32
    %scan3A_10 = arith.constant 1 : i32
    scf.for %scan3A_62 = %scan3A_7 to %scan3A_9 step %scan3A_10  : i32 {
      %mul3A_63 = arith.constant 640 : i32
      %mul3A_64 = arith.muli %arg1, %mul3A_63 : i32
      %mul3A_65 = arith.constant 2 : i32
      %mul3A_66 = arith.muli %scan3A_62, %mul3A_65 : i32
      %mul3A_67 = arith.constant 64 : i32
      %mul3A_68 = arith.muli %mul3A_66, %mul3A_67 : i32
      %add3A_69 = arith.addi %mul3A_64, %mul3A_68 : i32
      "tpu.region"() ({
        %run_scoped3A = tpu.sem_alloc : memref<!tpu.dma_semaphore, #tpu.memory_space<semaphore_mem>>
        %dma_start3A_70 = arith.constant 0 : i32
        %dma_start3A_71 = tpu.memref_slice %arg11[%add3A_69, %dma_start3A_70] : memref<10240x128xf32, #tpu.memory_space<vmem_shared>> -> memref<128x128xf32, #tpu.memory_space<vmem_shared>>
        %dma_start3A_72 = arith.constant 0 : i32
        %dma_start3A_73 = tpu.memref_slice %arg11[%add3A_69, %dma_start3A_72] : memref<10240x128xf32, #tpu.memory_space<vmem_shared>> -> memref<128x128xf32, #tpu.memory_space<vmem_shared>>
        tpu.enqueue_dma source(%arg10 : memref<128x128xf32, #tpu.memory_space<vmem>>) target(%dma_start3A_73 : memref<128x128xf32, #tpu.memory_space<vmem_shared>>) target_semaphore(%run_scoped3A : memref<!tpu.dma_semaphore, #tpu.memory_space<semaphore_mem>>)
        %dma_wait3A = arith.constant 0 : i32
        %dma_wait3A_74 = tpu.memref_slice %arg11[%add3A_69, %dma_wait3A] : memref<10240x128xf32, #tpu.memory_space<vmem_shared>> -> memref<128x128xf32, #tpu.memory_space<vmem_shared>>
        %dma_wait3A_75 = arith.constant 0 : i32
        %dma_wait3A_76 = tpu.memref_slice %arg11[%add3A_69, %dma_wait3A_75] : memref<10240x128xf32, #tpu.memory_space<vmem_shared>> -> memref<128x128xf32, #tpu.memory_space<vmem_shared>>
        tpu.wait_dma2 semaphore(%run_scoped3A : memref<!tpu.dma_semaphore, #tpu.memory_space<semaphore_mem>>) src(%arg10 : memref<128x128xf32, #tpu.memory_space<vmem>>) dst(%dma_wait3A_76 : memref<128x128xf32, #tpu.memory_space<vmem_shared>>)
        tpu.yield
      }) : () -> ()
    }
    %scan3A_11 = arith.constant 5 : i32
    %barrier3A = arith.constant 0 : index
    tpu.barrier barrier_id(%barrier3A)
    "tpu.region"() ({
      %run_scoped3A = tpu.sem_alloc : memref<!tpu.dma_semaphore, #tpu.memory_space<semaphore_mem>>
      %dma_start3A_62 = arith.constant 0 : i32
      %dma_start3A_63 = arith.constant 0 : i32
      %dma_start3A_64 = tpu.memref_slice %arg3[%add3A, %dma_start3A_62, %dma_start3A_63] : memref<32x79x128xi32, #tpu.memory_space<hbm>> -> memref<1x79x128xi32, #tpu.memory_space<hbm>>
      %dma_start3A_65 = tpu.memref_squeeze %dma_start3A_64 : memref<1x79x128xi32, #tpu.memory_space<hbm>> -> memref<79x128xi32, #tpu.memory_space<hbm>>
      %dma_start3A_66 = arith.constant 0 : i32
      %dma_start3A_67 = arith.constant 0 : i32
      %dma_start3A_68 = tpu.memref_slice %arg3[%add3A, %dma_start3A_66, %dma_start3A_67] : memref<32x79x128xi32, #tpu.memory_space<hbm>> -> memref<1x79x128xi32, #tpu.memory_space<hbm>>
      %dma_start3A_69 = tpu.memref_squeeze %dma_start3A_68 : memref<1x79x128xi32, #tpu.memory_space<hbm>> -> memref<79x128xi32, #tpu.memory_space<hbm>>
      tpu.enqueue_dma source(%dma_start3A_69 : memref<79x128xi32, #tpu.memory_space<hbm>>) target(%arg8 : memref<79x128xi32, #tpu.memory_space<vmem>>) target_semaphore(%run_scoped3A : memref<!tpu.dma_semaphore, #tpu.memory_space<semaphore_mem>>)
      %dma_wait3A = arith.constant 0 : i32
      %dma_wait3A_70 = arith.constant 0 : i32
      %dma_wait3A_71 = tpu.memref_slice %arg3[%add3A, %dma_wait3A, %dma_wait3A_70] : memref<32x79x128xi32, #tpu.memory_space<hbm>> -> memref<1x79x128xi32, #tpu.memory_space<hbm>>
      %dma_wait3A_72 = tpu.memref_squeeze %dma_wait3A_71 : memref<1x79x128xi32, #tpu.memory_space<hbm>> -> memref<79x128xi32, #tpu.memory_space<hbm>>
      %dma_wait3A_73 = arith.constant 0 : i32
      %dma_wait3A_74 = arith.constant 0 : i32
      %dma_wait3A_75 = tpu.memref_slice %arg3[%add3A, %dma_wait3A_73, %dma_wait3A_74] : memref<32x79x128xi32, #tpu.memory_space<hbm>> -> memref<1x79x128xi32, #tpu.memory_space<hbm>>
      %dma_wait3A_76 = tpu.memref_squeeze %dma_wait3A_75 : memref<1x79x128xi32, #tpu.memory_space<hbm>> -> memref<79x128xi32, #tpu.memory_space<hbm>>
      tpu.wait_dma2 semaphore(%run_scoped3A : memref<!tpu.dma_semaphore, #tpu.memory_space<semaphore_mem>>) src(%dma_wait3A_76 : memref<79x128xi32, #tpu.memory_space<hbm>>) dst(%arg8 : memref<79x128xi32, #tpu.memory_space<vmem>>)
      tpu.yield
    }) : () -> ()
    "tpu.region"() ({
      %run_scoped3A = tpu.sem_alloc : memref<!tpu.dma_semaphore, #tpu.memory_space<semaphore_mem>>
      %dma_start3A_62 = arith.constant 0 : i32
      %dma_start3A_63 = arith.constant 0 : i32
      %dma_start3A_64 = tpu.memref_slice %arg4[%add3A, %dma_start3A_62, %dma_start3A_63] : memref<32x157x64xi32, #tpu.memory_space<hbm>> -> memref<1x157x64xi32, #tpu.memory_space<hbm>>
      %dma_start3A_65 = tpu.memref_squeeze %dma_start3A_64 : memref<1x157x64xi32, #tpu.memory_space<hbm>> -> memref<157x64xi32, #tpu.memory_space<hbm>>
      %dma_start3A_66 = arith.constant 0 : i32
      %dma_start3A_67 = arith.constant 0 : i32
      %dma_start3A_68 = tpu.memref_slice %arg4[%add3A, %dma_start3A_66, %dma_start3A_67] : memref<32x157x64xi32, #tpu.memory_space<hbm>> -> memref<1x157x64xi32, #tpu.memory_space<hbm>>
      %dma_start3A_69 = tpu.memref_squeeze %dma_start3A_68 : memref<1x157x64xi32, #tpu.memory_space<hbm>> -> memref<157x64xi32, #tpu.memory_space<hbm>>
      tpu.enqueue_dma source(%dma_start3A_69 : memref<157x64xi32, #tpu.memory_space<hbm>>) target(%arg9 : memref<157x64xi32, #tpu.memory_space<vmem>>) target_semaphore(%run_scoped3A : memref<!tpu.dma_semaphore, #tpu.memory_space<semaphore_mem>>)
      %dma_wait3A = arith.constant 0 : i32
      %dma_wait3A_70 = arith.constant 0 : i32
      %dma_wait3A_71 = tpu.memref_slice %arg4[%add3A, %dma_wait3A, %dma_wait3A_70] : memref<32x157x64xi32, #tpu.memory_space<hbm>> -> memref<1x157x64xi32, #tpu.memory_space<hbm>>
      %dma_wait3A_72 = tpu.memref_squeeze %dma_wait3A_71 : memref<1x157x64xi32, #tpu.memory_space<hbm>> -> memref<157x64xi32, #tpu.memory_space<hbm>>
      %dma_wait3A_73 = arith.constant 0 : i32
      %dma_wait3A_74 = arith.constant 0 : i32
      %dma_wait3A_75 = tpu.memref_slice %arg4[%add3A, %dma_wait3A_73, %dma_wait3A_74] : memref<32x157x64xi32, #tpu.memory_space<hbm>> -> memref<1x157x64xi32, #tpu.memory_space<hbm>>
      %dma_wait3A_76 = tpu.memref_squeeze %dma_wait3A_75 : memref<1x157x64xi32, #tpu.memory_space<hbm>> -> memref<157x64xi32, #tpu.memory_space<hbm>>
      tpu.wait_dma2 semaphore(%run_scoped3A : memref<!tpu.dma_semaphore, #tpu.memory_space<semaphore_mem>>) src(%dma_wait3A_76 : memref<157x64xi32, #tpu.memory_space<hbm>>) dst(%arg9 : memref<157x64xi32, #tpu.memory_space<vmem>>)
      tpu.yield
    }) : () -> ()
    %eq3A = arith.constant 0 : i32
    %eq3A_12 = arith.cmpi eq, %arg0, %eq3A : i32
    %jit3A = arith.constant 131 : i32
    %jit3A_13 = arith.constant 157 : i32
    %select_n3A = arith.select %eq3A_12, %jit3A, %jit3A_13 : i32
    %add3A_14 = arith.constant 1 : i32
    %add3A_15 = arith.addi %select_n3A, %add3A_14 : i32
    %jit3A_16 = arith.constant 2 : i32
    %div3A = arith.divsi %add3A_15, %jit3A_16 : i32
    %sign3A = arith.constant 0 : i32
    %sign3A_17 = arith.cmpi sgt, %add3A_15, %sign3A : i32
    %sign3A_18 = arith.extui %sign3A_17 : i1 to i32
    %sign3A_19 = arith.constant 0 : i32
    %sign3A_20 = arith.cmpi slt, %add3A_15, %sign3A_19 : i32
    %sign3A_21 = arith.extui %sign3A_20 : i1 to i32
    %sign3A_22 = arith.subi %sign3A_18, %sign3A_21 : i32
    %sign3A_23 = arith.constant 0 : i32
    %sign3A_24 = arith.cmpi sgt, %jit3A_16, %sign3A_23 : i32
    %sign3A_25 = arith.extui %sign3A_24 : i1 to i32
    %sign3A_26 = arith.constant 0 : i32
    %sign3A_27 = arith.cmpi slt, %jit3A_16, %sign3A_26 : i32
    %sign3A_28 = arith.extui %sign3A_27 : i1 to i32
    %sign3A_29 = arith.subi %sign3A_25, %sign3A_28 : i32
    %ne3A = arith.cmpi ne, %sign3A_22, %sign3A_29 : i32
    %rem3A = arith.remsi %add3A_15, %jit3A_16 : i32
    %ne3A_30 = arith.constant 0 : i32
    %ne3A_31 = arith.cmpi ne, %rem3A, %ne3A_30 : i32
    %and3A = arith.andi %ne3A, %ne3A_31 : i1
    %sub3A = arith.constant 1 : i32
    %sub3A_32 = arith.subi %div3A, %sub3A : i32
    %select_n3A_33 = arith.select %and3A, %sub3A_32, %div3A : i32
    %dma_start3A = arith.constant 0 : i32
    %dma_start3A_34 = arith.constant 0 : i32
    %dma_start3A_35 = arith.constant 0 : i32
    %dma_start3A_36 = tpu.memref_slice %arg10[%dma_start3A_34, %dma_start3A_35] : memref<128x128xf32, #tpu.memory_space<vmem>> -> memref<64x128xf32, #tpu.memory_space<vmem>>
    %dma_start3A_37 = arith.constant 0 : i32
    %dma_start3A_38 = tpu.memref_slice %arg8[%dma_start3A, %dma_start3A_37] : memref<79x128xi32, #tpu.memory_space<vmem>> -> memref<1x64xi32, #tpu.memory_space<vmem>>
    %dma_start3A_39 = tpu.memref_squeeze %dma_start3A_38 : memref<1x64xi32, #tpu.memory_space<vmem>> -> memref<64xi32, #tpu.memory_space<vmem>>
    %dma_start3A_40 = arith.constant 0 : i32
    %dma_start3A_41 = arith.constant 0 : i32
    %dma_start3A_42 = tpu.memref_slice %arg2[%dma_start3A_40, %dma_start3A_41] : memref<10000x128xf32, #tpu.memory_space<hbm>> -> memref<10000x128xf32, #tpu.memory_space<hbm>>
    tpu.enqueue_indirect_dma source(%dma_start3A_42 : memref<10000x128xf32, #tpu.memory_space<hbm>>) target(%dma_start3A_36 : memref<64x128xf32, #tpu.memory_space<vmem>>) offsets(%dma_start3A_39 : memref<64xi32, #tpu.memory_space<vmem>>) semaphore(%arg12 : memref<!tpu.dma_semaphore, #tpu.memory_space<semaphore_mem>>)
    %while3A = arith.constant 0 : i32
    %while3A_43 = arith.constant 0 : i32
    %while3A_44 = arith.subi %select_n3A_33, %while3A_43 : i32
    %while3A_45 = arith.addi %while3A_43, %while3A_44 : i32
    %while3A_46 = arith.constant 1 : i32
    %while3A_47 = arith.divsi %while3A_44, %while3A_46 : i32
    %while3A_48 = arith.muli %while3A_47, %while3A_46 : i32
    %while3A_49 = arith.addi %while3A_43, %while3A_48 : i32
    %while3A_50 = arith.constant 1 : i32
    scf.for %while3A_62 = %while3A_43 to %while3A_49 step %while3A_50  : i32 {
      %mul3A_63 = arith.constant 2 : i32
      %mul3A_64 = arith.muli %mul3A_63, %while3A_62 : i32
      %add3A_65 = arith.constant 1 : i32
      %add3A_66 = arith.addi %mul3A_64, %add3A_65 : i32
      %lt3A = arith.cmpi slt, %add3A_66, %select_n3A : i32
      %convert_element_type3A_67 = arith.extui %lt3A : i1 to i32
      %cond3A_68 = arith.constant 0 : i32
      %cond3A_69 = arith.cmpi ne, %convert_element_type3A_67, %cond3A_68 : i32
      scf.if %cond3A_69 {
        %dma_start3A_86 = arith.constant 64 : i32
        %dma_start3A_87 = arith.constant 0 : i32
        %dma_start3A_88 = tpu.memref_slice %arg10[%dma_start3A_86, %dma_start3A_87] : memref<128x128xf32, #tpu.memory_space<vmem>> -> memref<64x128xf32, #tpu.memory_space<vmem>>
        %dma_start3A_89 = arith.constant 64 : i32
        %dma_start3A_90 = tpu.memref_slice %arg8[%while3A_62, %dma_start3A_89] : memref<79x128xi32, #tpu.memory_space<vmem>> -> memref<1x64xi32, #tpu.memory_space<vmem>>
        %dma_start3A_91 = tpu.memref_squeeze %dma_start3A_90 : memref<1x64xi32, #tpu.memory_space<vmem>> -> memref<64xi32, #tpu.memory_space<vmem>>
        %dma_start3A_92 = arith.constant 0 : i32
        %dma_start3A_93 = arith.constant 0 : i32
        %dma_start3A_94 = tpu.memref_slice %arg2[%dma_start3A_92, %dma_start3A_93] : memref<10000x128xf32, #tpu.memory_space<hbm>> -> memref<10000x128xf32, #tpu.memory_space<hbm>>
        tpu.enqueue_indirect_dma source(%dma_start3A_94 : memref<10000x128xf32, #tpu.memory_space<hbm>>) target(%dma_start3A_88 : memref<64x128xf32, #tpu.memory_space<vmem>>) offsets(%dma_start3A_91 : memref<64xi32, #tpu.memory_space<vmem>>) semaphore(%arg13 : memref<!tpu.dma_semaphore, #tpu.memory_space<semaphore_mem>>)
      } else {
      }
      %dma_wait3A = arith.constant 0 : i32
      %dma_wait3A_70 = arith.constant 0 : i32
      %dma_wait3A_71 = tpu.memref_slice %arg10[%dma_wait3A, %dma_wait3A_70] : memref<128x128xf32, #tpu.memory_space<vmem>> -> memref<64x128xf32, #tpu.memory_space<vmem>>
      %dma_wait3A_72 = arith.constant 0 : i32
      %dma_wait3A_73 = tpu.memref_slice %arg8[%while3A_62, %dma_wait3A_72] : memref<79x128xi32, #tpu.memory_space<vmem>> -> memref<1x64xi32, #tpu.memory_space<vmem>>
      %dma_wait3A_74 = tpu.memref_squeeze %dma_wait3A_73 : memref<1x64xi32, #tpu.memory_space<vmem>> -> memref<64xi32, #tpu.memory_space<vmem>>
      %dma_wait3A_75 = arith.constant 0 : i32
      %dma_wait3A_76 = arith.constant 0 : i32
      %dma_wait3A_77 = tpu.memref_slice %arg2[%dma_wait3A_75, %dma_wait3A_76] : memref<10000x128xf32, #tpu.memory_space<hbm>> -> memref<10000x128xf32, #tpu.memory_space<hbm>>
      tpu.wait_indirect_dma semaphore(%arg12 : memref<!tpu.dma_semaphore, #tpu.memory_space<semaphore_mem>>) src(%dma_wait3A_77 : memref<10000x128xf32, #tpu.memory_space<hbm>>) dst(%dma_wait3A_71 : memref<64x128xf32, #tpu.memory_space<vmem>>)
      %mul3A_78 = arith.constant 2 : i32
      %mul3A_79 = arith.muli %mul3A_78, %while3A_62 : i32
      %add3A_80 = arith.constant 0 : i32
      %add3A_81 = arith.addi %mul3A_79, %add3A_80 : i32
      "tpu.region"() ({
        %run_scoped3A = tpu.sem_alloc : memref<!tpu.dma_semaphore, #tpu.memory_space<semaphore_mem>>
        %dma_start3A_86 = arith.constant 0 : i32
        %dma_start3A_87 = arith.constant 0 : i32
        %dma_start3A_88 = tpu.memref_slice %arg10[%dma_start3A_86, %dma_start3A_87] : memref<128x128xf32, #tpu.memory_space<vmem>> -> memref<64x128xf32, #tpu.memory_space<vmem>>
        %dma_start3A_89 = arith.constant 0 : i32
        %dma_start3A_90 = tpu.memref_slice %arg9[%add3A_81, %dma_start3A_89] : memref<157x64xi32, #tpu.memory_space<vmem>> -> memref<1x64xi32, #tpu.memory_space<vmem>>
        %dma_start3A_91 = tpu.memref_squeeze %dma_start3A_90 : memref<1x64xi32, #tpu.memory_space<vmem>> -> memref<64xi32, #tpu.memory_space<vmem>>
        %dma_start3A_92 = arith.constant 0 : i32
        %dma_start3A_93 = arith.constant 0 : i32
        %dma_start3A_94 = tpu.memref_slice %arg11[%dma_start3A_92, %dma_start3A_93] : memref<10240x128xf32, #tpu.memory_space<vmem_shared>> -> memref<10240x128xf32, #tpu.memory_space<vmem_shared>>
        tpu.enqueue_indirect_dma source(%dma_start3A_88 : memref<64x128xf32, #tpu.memory_space<vmem>>) target(%dma_start3A_94 : memref<10240x128xf32, #tpu.memory_space<vmem_shared>>) offsets(%dma_start3A_91 : memref<64xi32, #tpu.memory_space<vmem>>) semaphore(%run_scoped3A : memref<!tpu.dma_semaphore, #tpu.memory_space<semaphore_mem>>) {add = true}
        %dma_wait3A_95 = arith.constant 0 : i32
        %dma_wait3A_96 = arith.constant 0 : i32
        %dma_wait3A_97 = tpu.memref_slice %arg10[%dma_wait3A_95, %dma_wait3A_96] : memref<128x128xf32, #tpu.memory_space<vmem>> -> memref<64x128xf32, #tpu.memory_space<vmem>>
        %dma_wait3A_98 = arith.constant 0 : i32
        %dma_wait3A_99 = tpu.memref_slice %arg9[%add3A_81, %dma_wait3A_98] : memref<157x64xi32, #tpu.memory_space<vmem>> -> memref<1x64xi32, #tpu.memory_space<vmem>>
        %dma_wait3A_100 = tpu.memref_squeeze %dma_wait3A_99 : memref<1x64xi32, #tpu.memory_space<vmem>> -> memref<64xi32, #tpu.memory_space<vmem>>
        %dma_wait3A_101 = arith.constant 0 : i32
        %dma_wait3A_102 = arith.constant 0 : i32
        %dma_wait3A_103 = tpu.memref_slice %arg11[%dma_wait3A_101, %dma_wait3A_102] : memref<10240x128xf32, #tpu.memory_space<vmem_shared>> -> memref<10240x128xf32, #tpu.memory_space<vmem_shared>>
        tpu.wait_indirect_dma semaphore(%run_scoped3A : memref<!tpu.dma_semaphore, #tpu.memory_space<semaphore_mem>>) src(%dma_wait3A_97 : memref<64x128xf32, #tpu.memory_space<vmem>>) dst(%dma_wait3A_103 : memref<10240x128xf32, #tpu.memory_space<vmem_shared>>)
        tpu.yield
      }) : () -> ()
      %lt3A_82 = arith.cmpi slt, %add3A_66, %select_n3A : i32
      %convert_element_type3A_83 = arith.extui %lt3A_82 : i1 to i32
      %cond3A_84 = arith.constant 0 : i32
      %cond3A_85 = arith.cmpi ne, %convert_element_type3A_83, %cond3A_84 : i32
      scf.if %cond3A_85 {
        %add3A_86 = arith.constant 1 : i32
        %add3A_87 = arith.addi %while3A_62, %add3A_86 : i32
        %dma_start3A_88 = arith.constant 0 : i32
        %dma_start3A_89 = arith.constant 0 : i32
        %dma_start3A_90 = tpu.memref_slice %arg10[%dma_start3A_88, %dma_start3A_89] : memref<128x128xf32, #tpu.memory_space<vmem>> -> memref<64x128xf32, #tpu.memory_space<vmem>>
        %dma_start3A_91 = arith.constant 0 : i32
        %dma_start3A_92 = tpu.memref_slice %arg8[%add3A_87, %dma_start3A_91] : memref<79x128xi32, #tpu.memory_space<vmem>> -> memref<1x64xi32, #tpu.memory_space<vmem>>
        %dma_start3A_93 = tpu.memref_squeeze %dma_start3A_92 : memref<1x64xi32, #tpu.memory_space<vmem>> -> memref<64xi32, #tpu.memory_space<vmem>>
        %dma_start3A_94 = arith.constant 0 : i32
        %dma_start3A_95 = arith.constant 0 : i32
        %dma_start3A_96 = tpu.memref_slice %arg2[%dma_start3A_94, %dma_start3A_95] : memref<10000x128xf32, #tpu.memory_space<hbm>> -> memref<10000x128xf32, #tpu.memory_space<hbm>>
        tpu.enqueue_indirect_dma source(%dma_start3A_96 : memref<10000x128xf32, #tpu.memory_space<hbm>>) target(%dma_start3A_90 : memref<64x128xf32, #tpu.memory_space<vmem>>) offsets(%dma_start3A_93 : memref<64xi32, #tpu.memory_space<vmem>>) semaphore(%arg12 : memref<!tpu.dma_semaphore, #tpu.memory_space<semaphore_mem>>)
        %dma_wait3A_97 = arith.constant 64 : i32
        %dma_wait3A_98 = arith.constant 0 : i32
        %dma_wait3A_99 = tpu.memref_slice %arg10[%dma_wait3A_97, %dma_wait3A_98] : memref<128x128xf32, #tpu.memory_space<vmem>> -> memref<64x128xf32, #tpu.memory_space<vmem>>
        %dma_wait3A_100 = arith.constant 64 : i32
        %dma_wait3A_101 = tpu.memref_slice %arg8[%while3A_62, %dma_wait3A_100] : memref<79x128xi32, #tpu.memory_space<vmem>> -> memref<1x64xi32, #tpu.memory_space<vmem>>
        %dma_wait3A_102 = tpu.memref_squeeze %dma_wait3A_101 : memref<1x64xi32, #tpu.memory_space<vmem>> -> memref<64xi32, #tpu.memory_space<vmem>>
        %dma_wait3A_103 = arith.constant 0 : i32
        %dma_wait3A_104 = arith.constant 0 : i32
        %dma_wait3A_105 = tpu.memref_slice %arg2[%dma_wait3A_103, %dma_wait3A_104] : memref<10000x128xf32, #tpu.memory_space<hbm>> -> memref<10000x128xf32, #tpu.memory_space<hbm>>
        tpu.wait_indirect_dma semaphore(%arg13 : memref<!tpu.dma_semaphore, #tpu.memory_space<semaphore_mem>>) src(%dma_wait3A_105 : memref<10000x128xf32, #tpu.memory_space<hbm>>) dst(%dma_wait3A_99 : memref<64x128xf32, #tpu.memory_space<vmem>>)
        %mul3A_106 = arith.constant 2 : i32
        %mul3A_107 = arith.muli %mul3A_106, %while3A_62 : i32
        %add3A_108 = arith.constant 1 : i32
        %add3A_109 = arith.addi %mul3A_107, %add3A_108 : i32
        "tpu.region"() ({
          %run_scoped3A = tpu.sem_alloc : memref<!tpu.dma_semaphore, #tpu.memory_space<semaphore_mem>>
          %dma_start3A_110 = arith.constant 64 : i32
          %dma_start3A_111 = arith.constant 0 : i32
          %dma_start3A_112 = tpu.memref_slice %arg10[%dma_start3A_110, %dma_start3A_111] : memref<128x128xf32, #tpu.memory_space<vmem>> -> memref<64x128xf32, #tpu.memory_space<vmem>>
          %dma_start3A_113 = arith.constant 0 : i32
          %dma_start3A_114 = tpu.memref_slice %arg9[%add3A_109, %dma_start3A_113] : memref<157x64xi32, #tpu.memory_space<vmem>> -> memref<1x64xi32, #tpu.memory_space<vmem>>
          %dma_start3A_115 = tpu.memref_squeeze %dma_start3A_114 : memref<1x64xi32, #tpu.memory_space<vmem>> -> memref<64xi32, #tpu.memory_space<vmem>>
          %dma_start3A_116 = arith.constant 0 : i32
          %dma_start3A_117 = arith.constant 0 : i32
          %dma_start3A_118 = tpu.memref_slice %arg11[%dma_start3A_116, %dma_start3A_117] : memref<10240x128xf32, #tpu.memory_space<vmem_shared>> -> memref<10240x128xf32, #tpu.memory_space<vmem_shared>>
          tpu.enqueue_indirect_dma source(%dma_start3A_112 : memref<64x128xf32, #tpu.memory_space<vmem>>) target(%dma_start3A_118 : memref<10240x128xf32, #tpu.memory_space<vmem_shared>>) offsets(%dma_start3A_115 : memref<64xi32, #tpu.memory_space<vmem>>) semaphore(%run_scoped3A : memref<!tpu.dma_semaphore, #tpu.memory_space<semaphore_mem>>) {add = true}
          %dma_wait3A_119 = arith.constant 64 : i32
          %dma_wait3A_120 = arith.constant 0 : i32
          %dma_wait3A_121 = tpu.memref_slice %arg10[%dma_wait3A_119, %dma_wait3A_120] : memref<128x128xf32, #tpu.memory_space<vmem>> -> memref<64x128xf32, #tpu.memory_space<vmem>>
          %dma_wait3A_122 = arith.constant 0 : i32
          %dma_wait3A_123 = tpu.memref_slice %arg9[%add3A_109, %dma_wait3A_122] : memref<157x64xi32, #tpu.memory_space<vmem>> -> memref<1x64xi32, #tpu.memory_space<vmem>>
          %dma_wait3A_124 = tpu.memref_squeeze %dma_wait3A_123 : memref<1x64xi32, #tpu.memory_space<vmem>> -> memref<64xi32, #tpu.memory_space<vmem>>
          %dma_wait3A_125 = arith.constant 0 : i32
          %dma_wait3A_126 = arith.constant 0 : i32
          %dma_wait3A_127 = tpu.memref_slice %arg11[%dma_wait3A_125, %dma_wait3A_126] : memref<10240x128xf32, #tpu.memory_space<vmem_shared>> -> memref<10240x128xf32, #tpu.memory_space<vmem_shared>>
          tpu.wait_indirect_dma semaphore(%run_scoped3A : memref<!tpu.dma_semaphore, #tpu.memory_space<semaphore_mem>>) src(%dma_wait3A_121 : memref<64x128xf32, #tpu.memory_space<vmem>>) dst(%dma_wait3A_127 : memref<10240x128xf32, #tpu.memory_space<vmem_shared>>)
          tpu.yield
        }) : () -> ()
      } else {
      }
    }
    %while3A_51 = arith.constant 1 : i32
    scf.for %while3A_62 = %while3A_49 to %while3A_45 step %while3A_51  : i32 {
      %mul3A_63 = arith.constant 2 : i32
      %mul3A_64 = arith.muli %mul3A_63, %while3A_62 : i32
      %add3A_65 = arith.constant 1 : i32
      %add3A_66 = arith.addi %mul3A_64, %add3A_65 : i32
      %lt3A = arith.cmpi slt, %add3A_66, %select_n3A : i32
      %convert_element_type3A_67 = arith.extui %lt3A : i1 to i32
      %cond3A_68 = arith.constant 0 : i32
      %cond3A_69 = arith.cmpi ne, %convert_element_type3A_67, %cond3A_68 : i32
      scf.if %cond3A_69 {
        %dma_start3A_86 = arith.constant 64 : i32
        %dma_start3A_87 = arith.constant 0 : i32
        %dma_start3A_88 = tpu.memref_slice %arg10[%dma_start3A_86, %dma_start3A_87] : memref<128x128xf32, #tpu.memory_space<vmem>> -> memref<64x128xf32, #tpu.memory_space<vmem>>
        %dma_start3A_89 = arith.constant 64 : i32
        %dma_start3A_90 = tpu.memref_slice %arg8[%while3A_62, %dma_start3A_89] : memref<79x128xi32, #tpu.memory_space<vmem>> -> memref<1x64xi32, #tpu.memory_space<vmem>>
        %dma_start3A_91 = tpu.memref_squeeze %dma_start3A_90 : memref<1x64xi32, #tpu.memory_space<vmem>> -> memref<64xi32, #tpu.memory_space<vmem>>
        %dma_start3A_92 = arith.constant 0 : i32
        %dma_start3A_93 = arith.constant 0 : i32
        %dma_start3A_94 = tpu.memref_slice %arg2[%dma_start3A_92, %dma_start3A_93] : memref<10000x128xf32, #tpu.memory_space<hbm>> -> memref<10000x128xf32, #tpu.memory_space<hbm>>
        tpu.enqueue_indirect_dma source(%dma_start3A_94 : memref<10000x128xf32, #tpu.memory_space<hbm>>) target(%dma_start3A_88 : memref<64x128xf32, #tpu.memory_space<vmem>>) offsets(%dma_start3A_91 : memref<64xi32, #tpu.memory_space<vmem>>) semaphore(%arg13 : memref<!tpu.dma_semaphore, #tpu.memory_space<semaphore_mem>>)
      } else {
      }
      %dma_wait3A = arith.constant 0 : i32
      %dma_wait3A_70 = arith.constant 0 : i32
      %dma_wait3A_71 = tpu.memref_slice %arg10[%dma_wait3A, %dma_wait3A_70] : memref<128x128xf32, #tpu.memory_space<vmem>> -> memref<64x128xf32, #tpu.memory_space<vmem>>
      %dma_wait3A_72 = arith.constant 0 : i32
      %dma_wait3A_73 = tpu.memref_slice %arg8[%while3A_62, %dma_wait3A_72] : memref<79x128xi32, #tpu.memory_space<vmem>> -> memref<1x64xi32, #tpu.memory_space<vmem>>
      %dma_wait3A_74 = tpu.memref_squeeze %dma_wait3A_73 : memref<1x64xi32, #tpu.memory_space<vmem>> -> memref<64xi32, #tpu.memory_space<vmem>>
      %dma_wait3A_75 = arith.constant 0 : i32
      %dma_wait3A_76 = arith.constant 0 : i32
      %dma_wait3A_77 = tpu.memref_slice %arg2[%dma_wait3A_75, %dma_wait3A_76] : memref<10000x128xf32, #tpu.memory_space<hbm>> -> memref<10000x128xf32, #tpu.memory_space<hbm>>
      tpu.wait_indirect_dma semaphore(%arg12 : memref<!tpu.dma_semaphore, #tpu.memory_space<semaphore_mem>>) src(%dma_wait3A_77 : memref<10000x128xf32, #tpu.memory_space<hbm>>) dst(%dma_wait3A_71 : memref<64x128xf32, #tpu.memory_space<vmem>>)
      %mul3A_78 = arith.constant 2 : i32
      %mul3A_79 = arith.muli %mul3A_78, %while3A_62 : i32
      %add3A_80 = arith.constant 0 : i32
      %add3A_81 = arith.addi %mul3A_79, %add3A_80 : i32
      "tpu.region"() ({
        %run_scoped3A = tpu.sem_alloc : memref<!tpu.dma_semaphore, #tpu.memory_space<semaphore_mem>>
        %dma_start3A_86 = arith.constant 0 : i32
        %dma_start3A_87 = arith.constant 0 : i32
        %dma_start3A_88 = tpu.memref_slice %arg10[%dma_start3A_86, %dma_start3A_87] : memref<128x128xf32, #tpu.memory_space<vmem>> -> memref<64x128xf32, #tpu.memory_space<vmem>>
        %dma_start3A_89 = arith.constant 0 : i32
        %dma_start3A_90 = tpu.memref_slice %arg9[%add3A_81, %dma_start3A_89] : memref<157x64xi32, #tpu.memory_space<vmem>> -> memref<1x64xi32, #tpu.memory_space<vmem>>
        %dma_start3A_91 = tpu.memref_squeeze %dma_start3A_90 : memref<1x64xi32, #tpu.memory_space<vmem>> -> memref<64xi32, #tpu.memory_space<vmem>>
        %dma_start3A_92 = arith.constant 0 : i32
        %dma_start3A_93 = arith.constant 0 : i32
        %dma_start3A_94 = tpu.memref_slice %arg11[%dma_start3A_92, %dma_start3A_93] : memref<10240x128xf32, #tpu.memory_space<vmem_shared>> -> memref<10240x128xf32, #tpu.memory_space<vmem_shared>>
        tpu.enqueue_indirect_dma source(%dma_start3A_88 : memref<64x128xf32, #tpu.memory_space<vmem>>) target(%dma_start3A_94 : memref<10240x128xf32, #tpu.memory_space<vmem_shared>>) offsets(%dma_start3A_91 : memref<64xi32, #tpu.memory_space<vmem>>) semaphore(%run_scoped3A : memref<!tpu.dma_semaphore, #tpu.memory_space<semaphore_mem>>) {add = true}
        %dma_wait3A_95 = arith.constant 0 : i32
        %dma_wait3A_96 = arith.constant 0 : i32
        %dma_wait3A_97 = tpu.memref_slice %arg10[%dma_wait3A_95, %dma_wait3A_96] : memref<128x128xf32, #tpu.memory_space<vmem>> -> memref<64x128xf32, #tpu.memory_space<vmem>>
        %dma_wait3A_98 = arith.constant 0 : i32
        %dma_wait3A_99 = tpu.memref_slice %arg9[%add3A_81, %dma_wait3A_98] : memref<157x64xi32, #tpu.memory_space<vmem>> -> memref<1x64xi32, #tpu.memory_space<vmem>>
        %dma_wait3A_100 = tpu.memref_squeeze %dma_wait3A_99 : memref<1x64xi32, #tpu.memory_space<vmem>> -> memref<64xi32, #tpu.memory_space<vmem>>
        %dma_wait3A_101 = arith.constant 0 : i32
        %dma_wait3A_102 = arith.constant 0 : i32
        %dma_wait3A_103 = tpu.memref_slice %arg11[%dma_wait3A_101, %dma_wait3A_102] : memref<10240x128xf32, #tpu.memory_space<vmem_shared>> -> memref<10240x128xf32, #tpu.memory_space<vmem_shared>>
        tpu.wait_indirect_dma semaphore(%run_scoped3A : memref<!tpu.dma_semaphore, #tpu.memory_space<semaphore_mem>>) src(%dma_wait3A_97 : memref<64x128xf32, #tpu.memory_space<vmem>>) dst(%dma_wait3A_103 : memref<10240x128xf32, #tpu.memory_space<vmem_shared>>)
        tpu.yield
      }) : () -> ()
      %lt3A_82 = arith.cmpi slt, %add3A_66, %select_n3A : i32
      %convert_element_type3A_83 = arith.extui %lt3A_82 : i1 to i32
      %cond3A_84 = arith.constant 0 : i32
      %cond3A_85 = arith.cmpi ne, %convert_element_type3A_83, %cond3A_84 : i32
      scf.if %cond3A_85 {
        %add3A_86 = arith.constant 1 : i32
        %add3A_87 = arith.addi %while3A_62, %add3A_86 : i32
        %dma_start3A_88 = arith.constant 0 : i32
        %dma_start3A_89 = arith.constant 0 : i32
        %dma_start3A_90 = tpu.memref_slice %arg10[%dma_start3A_88, %dma_start3A_89] : memref<128x128xf32, #tpu.memory_space<vmem>> -> memref<64x128xf32, #tpu.memory_space<vmem>>
        %dma_start3A_91 = arith.constant 0 : i32
        %dma_start3A_92 = tpu.memref_slice %arg8[%add3A_87, %dma_start3A_91] : memref<79x128xi32, #tpu.memory_space<vmem>> -> memref<1x64xi32, #tpu.memory_space<vmem>>
        %dma_start3A_93 = tpu.memref_squeeze %dma_start3A_92 : memref<1x64xi32, #tpu.memory_space<vmem>> -> memref<64xi32, #tpu.memory_space<vmem>>
        %dma_start3A_94 = arith.constant 0 : i32
        %dma_start3A_95 = arith.constant 0 : i32
        %dma_start3A_96 = tpu.memref_slice %arg2[%dma_start3A_94, %dma_start3A_95] : memref<10000x128xf32, #tpu.memory_space<hbm>> -> memref<10000x128xf32, #tpu.memory_space<hbm>>
        tpu.enqueue_indirect_dma source(%dma_start3A_96 : memref<10000x128xf32, #tpu.memory_space<hbm>>) target(%dma_start3A_90 : memref<64x128xf32, #tpu.memory_space<vmem>>) offsets(%dma_start3A_93 : memref<64xi32, #tpu.memory_space<vmem>>) semaphore(%arg12 : memref<!tpu.dma_semaphore, #tpu.memory_space<semaphore_mem>>)
        %dma_wait3A_97 = arith.constant 64 : i32
        %dma_wait3A_98 = arith.constant 0 : i32
        %dma_wait3A_99 = tpu.memref_slice %arg10[%dma_wait3A_97, %dma_wait3A_98] : memref<128x128xf32, #tpu.memory_space<vmem>> -> memref<64x128xf32, #tpu.memory_space<vmem>>
        %dma_wait3A_100 = arith.constant 64 : i32
        %dma_wait3A_101 = tpu.memref_slice %arg8[%while3A_62, %dma_wait3A_100] : memref<79x128xi32, #tpu.memory_space<vmem>> -> memref<1x64xi32, #tpu.memory_space<vmem>>
        %dma_wait3A_102 = tpu.memref_squeeze %dma_wait3A_101 : memref<1x64xi32, #tpu.memory_space<vmem>> -> memref<64xi32, #tpu.memory_space<vmem>>
        %dma_wait3A_103 = arith.constant 0 : i32
        %dma_wait3A_104 = arith.constant 0 : i32
        %dma_wait3A_105 = tpu.memref_slice %arg2[%dma_wait3A_103, %dma_wait3A_104] : memref<10000x128xf32, #tpu.memory_space<hbm>> -> memref<10000x128xf32, #tpu.memory_space<hbm>>
        tpu.wait_indirect_dma semaphore(%arg13 : memref<!tpu.dma_semaphore, #tpu.memory_space<semaphore_mem>>) src(%dma_wait3A_105 : memref<10000x128xf32, #tpu.memory_space<hbm>>) dst(%dma_wait3A_99 : memref<64x128xf32, #tpu.memory_space<vmem>>)
        %mul3A_106 = arith.constant 2 : i32
        %mul3A_107 = arith.muli %mul3A_106, %while3A_62 : i32
        %add3A_108 = arith.constant 1 : i32
        %add3A_109 = arith.addi %mul3A_107, %add3A_108 : i32
        "tpu.region"() ({
          %run_scoped3A = tpu.sem_alloc : memref<!tpu.dma_semaphore, #tpu.memory_space<semaphore_mem>>
          %dma_start3A_110 = arith.constant 64 : i32
          %dma_start3A_111 = arith.constant 0 : i32
          %dma_start3A_112 = tpu.memref_slice %arg10[%dma_start3A_110, %dma_start3A_111] : memref<128x128xf32, #tpu.memory_space<vmem>> -> memref<64x128xf32, #tpu.memory_space<vmem>>
          %dma_start3A_113 = arith.constant 0 : i32
          %dma_start3A_114 = tpu.memref_slice %arg9[%add3A_109, %dma_start3A_113] : memref<157x64xi32, #tpu.memory_space<vmem>> -> memref<1x64xi32, #tpu.memory_space<vmem>>
          %dma_start3A_115 = tpu.memref_squeeze %dma_start3A_114 : memref<1x64xi32, #tpu.memory_space<vmem>> -> memref<64xi32, #tpu.memory_space<vmem>>
          %dma_start3A_116 = arith.constant 0 : i32
          %dma_start3A_117 = arith.constant 0 : i32
          %dma_start3A_118 = tpu.memref_slice %arg11[%dma_start3A_116, %dma_start3A_117] : memref<10240x128xf32, #tpu.memory_space<vmem_shared>> -> memref<10240x128xf32, #tpu.memory_space<vmem_shared>>
          tpu.enqueue_indirect_dma source(%dma_start3A_112 : memref<64x128xf32, #tpu.memory_space<vmem>>) target(%dma_start3A_118 : memref<10240x128xf32, #tpu.memory_space<vmem_shared>>) offsets(%dma_start3A_115 : memref<64xi32, #tpu.memory_space<vmem>>) semaphore(%run_scoped3A : memref<!tpu.dma_semaphore, #tpu.memory_space<semaphore_mem>>) {add = true}
          %dma_wait3A_119 = arith.constant 64 : i32
          %dma_wait3A_120 = arith.constant 0 : i32
          %dma_wait3A_121 = tpu.memref_slice %arg10[%dma_wait3A_119, %dma_wait3A_120] : memref<128x128xf32, #tpu.memory_space<vmem>> -> memref<64x128xf32, #tpu.memory_space<vmem>>
          %dma_wait3A_122 = arith.constant 0 : i32
          %dma_wait3A_123 = tpu.memref_slice %arg9[%add3A_109, %dma_wait3A_122] : memref<157x64xi32, #tpu.memory_space<vmem>> -> memref<1x64xi32, #tpu.memory_space<vmem>>
          %dma_wait3A_124 = tpu.memref_squeeze %dma_wait3A_123 : memref<1x64xi32, #tpu.memory_space<vmem>> -> memref<64xi32, #tpu.memory_space<vmem>>
          %dma_wait3A_125 = arith.constant 0 : i32
          %dma_wait3A_126 = arith.constant 0 : i32
          %dma_wait3A_127 = tpu.memref_slice %arg11[%dma_wait3A_125, %dma_wait3A_126] : memref<10240x128xf32, #tpu.memory_space<vmem_shared>> -> memref<10240x128xf32, #tpu.memory_space<vmem_shared>>
          tpu.wait_indirect_dma semaphore(%run_scoped3A : memref<!tpu.dma_semaphore, #tpu.memory_space<semaphore_mem>>) src(%dma_wait3A_121 : memref<64x128xf32, #tpu.memory_space<vmem>>) dst(%dma_wait3A_127 : memref<10240x128xf32, #tpu.memory_space<vmem_shared>>)
          tpu.yield
        }) : () -> ()
      } else {
      }
    }
    %ne3A_52 = arith.constant 0 : i32
    %ne3A_53 = arith.cmpi ne, %arg0, %ne3A_52 : i32
    %convert_element_type3A = arith.extui %ne3A_53 : i1 to i32
    %cond3A = arith.constant 0 : i32
    %cond3A_54 = arith.cmpi ne, %convert_element_type3A, %cond3A : i32
    scf.if %cond3A_54 {
      "tpu.region"() ({
        %run_scoped3A = tpu.sem_alloc : memref<!tpu.dma_semaphore, #tpu.memory_space<semaphore_mem>>
        %dma_start3A_78 = arith.constant 0 : i32
        %dma_start3A_79 = arith.constant 0 : i32
        %dma_start3A_80 = tpu.memref_slice %arg8[%dma_start3A_78, %dma_start3A_79] : memref<79x128xi32, #tpu.memory_space<vmem>> -> memref<13x128xi32, #tpu.memory_space<vmem>>
        %dma_start3A_81 = arith.constant 0 : i32
        %dma_start3A_82 = arith.constant 0 : i32
        %dma_start3A_83 = tpu.memref_slice %arg5[%add3A, %dma_start3A_81, %dma_start3A_82] : memref<32x13x128xi32, #tpu.memory_space<hbm>> -> memref<1x13x128xi32, #tpu.memory_space<hbm>>
        %dma_start3A_84 = tpu.memref_squeeze %dma_start3A_83 : memref<1x13x128xi32, #tpu.memory_space<hbm>> -> memref<13x128xi32, #tpu.memory_space<hbm>>
        %dma_start3A_85 = arith.constant 0 : i32
        %dma_start3A_86 = arith.constant 0 : i32
        %dma_start3A_87 = tpu.memref_slice %arg8[%dma_start3A_85, %dma_start3A_86] : memref<79x128xi32, #tpu.memory_space<vmem>> -> memref<13x128xi32, #tpu.memory_space<vmem>>
        %dma_start3A_88 = arith.constant 0 : i32
        %dma_start3A_89 = arith.constant 0 : i32
        %dma_start3A_90 = tpu.memref_slice %arg5[%add3A, %dma_start3A_88, %dma_start3A_89] : memref<32x13x128xi32, #tpu.memory_space<hbm>> -> memref<1x13x128xi32, #tpu.memory_space<hbm>>
        %dma_start3A_91 = tpu.memref_squeeze %dma_start3A_90 : memref<1x13x128xi32, #tpu.memory_space<hbm>> -> memref<13x128xi32, #tpu.memory_space<hbm>>
        tpu.enqueue_dma source(%dma_start3A_91 : memref<13x128xi32, #tpu.memory_space<hbm>>) target(%dma_start3A_87 : memref<13x128xi32, #tpu.memory_space<vmem>>) target_semaphore(%run_scoped3A : memref<!tpu.dma_semaphore, #tpu.memory_space<semaphore_mem>>)
        %dma_wait3A = arith.constant 0 : i32
        %dma_wait3A_92 = arith.constant 0 : i32
        %dma_wait3A_93 = tpu.memref_slice %arg8[%dma_wait3A, %dma_wait3A_92] : memref<79x128xi32, #tpu.memory_space<vmem>> -> memref<13x128xi32, #tpu.memory_space<vmem>>
        %dma_wait3A_94 = arith.constant 0 : i32
        %dma_wait3A_95 = arith.constant 0 : i32
        %dma_wait3A_96 = tpu.memref_slice %arg5[%add3A, %dma_wait3A_94, %dma_wait3A_95] : memref<32x13x128xi32, #tpu.memory_space<hbm>> -> memref<1x13x128xi32, #tpu.memory_space<hbm>>
        %dma_wait3A_97 = tpu.memref_squeeze %dma_wait3A_96 : memref<1x13x128xi32, #tpu.memory_space<hbm>> -> memref<13x128xi32, #tpu.memory_space<hbm>>
        %dma_wait3A_98 = arith.constant 0 : i32
        %dma_wait3A_99 = arith.constant 0 : i32
        %dma_wait3A_100 = tpu.memref_slice %arg8[%dma_wait3A_98, %dma_wait3A_99] : memref<79x128xi32, #tpu.memory_space<vmem>> -> memref<13x128xi32, #tpu.memory_space<vmem>>
        %dma_wait3A_101 = arith.constant 0 : i32
        %dma_wait3A_102 = arith.constant 0 : i32
        %dma_wait3A_103 = tpu.memref_slice %arg5[%add3A, %dma_wait3A_101, %dma_wait3A_102] : memref<32x13x128xi32, #tpu.memory_space<hbm>> -> memref<1x13x128xi32, #tpu.memory_space<hbm>>
        %dma_wait3A_104 = tpu.memref_squeeze %dma_wait3A_103 : memref<1x13x128xi32, #tpu.memory_space<hbm>> -> memref<13x128xi32, #tpu.memory_space<hbm>>
        tpu.wait_dma2 semaphore(%run_scoped3A : memref<!tpu.dma_semaphore, #tpu.memory_space<semaphore_mem>>) src(%dma_wait3A_104 : memref<13x128xi32, #tpu.memory_space<hbm>>) dst(%dma_wait3A_100 : memref<13x128xi32, #tpu.memory_space<vmem>>)
        tpu.yield
      }) : () -> ()
      "tpu.region"() ({
        %run_scoped3A = tpu.sem_alloc : memref<!tpu.dma_semaphore, #tpu.memory_space<semaphore_mem>>
        %dma_start3A_78 = arith.constant 0 : i32
        %dma_start3A_79 = arith.constant 0 : i32
        %dma_start3A_80 = tpu.memref_slice %arg9[%dma_start3A_78, %dma_start3A_79] : memref<157x64xi32, #tpu.memory_space<vmem>> -> memref<25x64xi32, #tpu.memory_space<vmem>>
        %dma_start3A_81 = arith.constant 0 : i32
        %dma_start3A_82 = arith.constant 0 : i32
        %dma_start3A_83 = tpu.memref_slice %arg6[%add3A, %dma_start3A_81, %dma_start3A_82] : memref<32x25x64xi32, #tpu.memory_space<hbm>> -> memref<1x25x64xi32, #tpu.memory_space<hbm>>
        %dma_start3A_84 = tpu.memref_squeeze %dma_start3A_83 : memref<1x25x64xi32, #tpu.memory_space<hbm>> -> memref<25x64xi32, #tpu.memory_space<hbm>>
        %dma_start3A_85 = arith.constant 0 : i32
        %dma_start3A_86 = arith.constant 0 : i32
        %dma_start3A_87 = tpu.memref_slice %arg9[%dma_start3A_85, %dma_start3A_86] : memref<157x64xi32, #tpu.memory_space<vmem>> -> memref<25x64xi32, #tpu.memory_space<vmem>>
        %dma_start3A_88 = arith.constant 0 : i32
        %dma_start3A_89 = arith.constant 0 : i32
        %dma_start3A_90 = tpu.memref_slice %arg6[%add3A, %dma_start3A_88, %dma_start3A_89] : memref<32x25x64xi32, #tpu.memory_space<hbm>> -> memref<1x25x64xi32, #tpu.memory_space<hbm>>
        %dma_start3A_91 = tpu.memref_squeeze %dma_start3A_90 : memref<1x25x64xi32, #tpu.memory_space<hbm>> -> memref<25x64xi32, #tpu.memory_space<hbm>>
        tpu.enqueue_dma source(%dma_start3A_91 : memref<25x64xi32, #tpu.memory_space<hbm>>) target(%dma_start3A_87 : memref<25x64xi32, #tpu.memory_space<vmem>>) target_semaphore(%run_scoped3A : memref<!tpu.dma_semaphore, #tpu.memory_space<semaphore_mem>>)
        %dma_wait3A = arith.constant 0 : i32
        %dma_wait3A_92 = arith.constant 0 : i32
        %dma_wait3A_93 = tpu.memref_slice %arg9[%dma_wait3A, %dma_wait3A_92] : memref<157x64xi32, #tpu.memory_space<vmem>> -> memref<25x64xi32, #tpu.memory_space<vmem>>
        %dma_wait3A_94 = arith.constant 0 : i32
        %dma_wait3A_95 = arith.constant 0 : i32
        %dma_wait3A_96 = tpu.memref_slice %arg6[%add3A, %dma_wait3A_94, %dma_wait3A_95] : memref<32x25x64xi32, #tpu.memory_space<hbm>> -> memref<1x25x64xi32, #tpu.memory_space<hbm>>
        %dma_wait3A_97 = tpu.memref_squeeze %dma_wait3A_96 : memref<1x25x64xi32, #tpu.memory_space<hbm>> -> memref<25x64xi32, #tpu.memory_space<hbm>>
        %dma_wait3A_98 = arith.constant 0 : i32
        %dma_wait3A_99 = arith.constant 0 : i32
        %dma_wait3A_100 = tpu.memref_slice %arg9[%dma_wait3A_98, %dma_wait3A_99] : memref<157x64xi32, #tpu.memory_space<vmem>> -> memref<25x64xi32, #tpu.memory_space<vmem>>
        %dma_wait3A_101 = arith.constant 0 : i32
        %dma_wait3A_102 = arith.constant 0 : i32
        %dma_wait3A_103 = tpu.memref_slice %arg6[%add3A, %dma_wait3A_101, %dma_wait3A_102] : memref<32x25x64xi32, #tpu.memory_space<hbm>> -> memref<1x25x64xi32, #tpu.memory_space<hbm>>
        %dma_wait3A_104 = tpu.memref_squeeze %dma_wait3A_103 : memref<1x25x64xi32, #tpu.memory_space<hbm>> -> memref<25x64xi32, #tpu.memory_space<hbm>>
        tpu.wait_dma2 semaphore(%run_scoped3A : memref<!tpu.dma_semaphore, #tpu.memory_space<semaphore_mem>>) src(%dma_wait3A_104 : memref<25x64xi32, #tpu.memory_space<hbm>>) dst(%dma_wait3A_100 : memref<25x64xi32, #tpu.memory_space<vmem>>)
        tpu.yield
      }) : () -> ()
      %dma_start3A_62 = arith.constant 0 : i32
      %dma_start3A_63 = arith.constant 0 : i32
      %dma_start3A_64 = arith.constant 0 : i32
      %dma_start3A_65 = tpu.memref_slice %arg10[%dma_start3A_63, %dma_start3A_64] : memref<128x128xf32, #tpu.memory_space<vmem>> -> memref<64x128xf32, #tpu.memory_space<vmem>>
      %dma_start3A_66 = arith.constant 0 : i32
      %dma_start3A_67 = tpu.memref_slice %arg8[%dma_start3A_62, %dma_start3A_66] : memref<79x128xi32, #tpu.memory_space<vmem>> -> memref<1x64xi32, #tpu.memory_space<vmem>>
      %dma_start3A_68 = tpu.memref_squeeze %dma_start3A_67 : memref<1x64xi32, #tpu.memory_space<vmem>> -> memref<64xi32, #tpu.memory_space<vmem>>
      %dma_start3A_69 = arith.constant 0 : i32
      %dma_start3A_70 = arith.constant 0 : i32
      %dma_start3A_71 = tpu.memref_slice %arg2[%dma_start3A_69, %dma_start3A_70] : memref<10000x128xf32, #tpu.memory_space<hbm>> -> memref<10000x128xf32, #tpu.memory_space<hbm>>
      tpu.enqueue_indirect_dma source(%dma_start3A_71 : memref<10000x128xf32, #tpu.memory_space<hbm>>) target(%dma_start3A_65 : memref<64x128xf32, #tpu.memory_space<vmem>>) offsets(%dma_start3A_68 : memref<64xi32, #tpu.memory_space<vmem>>) semaphore(%arg12 : memref<!tpu.dma_semaphore, #tpu.memory_space<semaphore_mem>>)
      %scan3A_72 = arith.constant 0 : i32
      %scan3A_73 = arith.constant 0 : i32
      %scan3A_74 = arith.constant 13 : i32
      %scan3A_75 = arith.addi %scan3A_73, %scan3A_74 : i32
      %scan3A_76 = arith.constant 1 : i32
      scf.for %scan3A_78 = %scan3A_73 to %scan3A_75 step %scan3A_76  : i32 {
        %mul3A_79 = arith.constant 2 : i32
        %mul3A_80 = arith.muli %mul3A_79, %scan3A_78 : i32
        %add3A_81 = arith.constant 1 : i32
        %add3A_82 = arith.addi %mul3A_80, %add3A_81 : i32
        %lt3A = arith.constant 25 : i32
        %lt3A_83 = arith.cmpi slt, %add3A_82, %lt3A : i32
        %convert_element_type3A_84 = arith.extui %lt3A_83 : i1 to i32
        %cond3A_85 = arith.constant 0 : i32
        %cond3A_86 = arith.cmpi ne, %convert_element_type3A_84, %cond3A_85 : i32
        scf.if %cond3A_86 {
          %dma_start3A_104 = arith.constant 64 : i32
          %dma_start3A_105 = arith.constant 0 : i32
          %dma_start3A_106 = tpu.memref_slice %arg10[%dma_start3A_104, %dma_start3A_105] : memref<128x128xf32, #tpu.memory_space<vmem>> -> memref<64x128xf32, #tpu.memory_space<vmem>>
          %dma_start3A_107 = arith.constant 64 : i32
          %dma_start3A_108 = tpu.memref_slice %arg8[%scan3A_78, %dma_start3A_107] : memref<79x128xi32, #tpu.memory_space<vmem>> -> memref<1x64xi32, #tpu.memory_space<vmem>>
          %dma_start3A_109 = tpu.memref_squeeze %dma_start3A_108 : memref<1x64xi32, #tpu.memory_space<vmem>> -> memref<64xi32, #tpu.memory_space<vmem>>
          %dma_start3A_110 = arith.constant 0 : i32
          %dma_start3A_111 = arith.constant 0 : i32
          %dma_start3A_112 = tpu.memref_slice %arg2[%dma_start3A_110, %dma_start3A_111] : memref<10000x128xf32, #tpu.memory_space<hbm>> -> memref<10000x128xf32, #tpu.memory_space<hbm>>
          tpu.enqueue_indirect_dma source(%dma_start3A_112 : memref<10000x128xf32, #tpu.memory_space<hbm>>) target(%dma_start3A_106 : memref<64x128xf32, #tpu.memory_space<vmem>>) offsets(%dma_start3A_109 : memref<64xi32, #tpu.memory_space<vmem>>) semaphore(%arg13 : memref<!tpu.dma_semaphore, #tpu.memory_space<semaphore_mem>>)
        } else {
        }
        %dma_wait3A = arith.constant 0 : i32
        %dma_wait3A_87 = arith.constant 0 : i32
        %dma_wait3A_88 = tpu.memref_slice %arg10[%dma_wait3A, %dma_wait3A_87] : memref<128x128xf32, #tpu.memory_space<vmem>> -> memref<64x128xf32, #tpu.memory_space<vmem>>
        %dma_wait3A_89 = arith.constant 0 : i32
        %dma_wait3A_90 = tpu.memref_slice %arg8[%scan3A_78, %dma_wait3A_89] : memref<79x128xi32, #tpu.memory_space<vmem>> -> memref<1x64xi32, #tpu.memory_space<vmem>>
        %dma_wait3A_91 = tpu.memref_squeeze %dma_wait3A_90 : memref<1x64xi32, #tpu.memory_space<vmem>> -> memref<64xi32, #tpu.memory_space<vmem>>
        %dma_wait3A_92 = arith.constant 0 : i32
        %dma_wait3A_93 = arith.constant 0 : i32
        %dma_wait3A_94 = tpu.memref_slice %arg2[%dma_wait3A_92, %dma_wait3A_93] : memref<10000x128xf32, #tpu.memory_space<hbm>> -> memref<10000x128xf32, #tpu.memory_space<hbm>>
        tpu.wait_indirect_dma semaphore(%arg12 : memref<!tpu.dma_semaphore, #tpu.memory_space<semaphore_mem>>) src(%dma_wait3A_94 : memref<10000x128xf32, #tpu.memory_space<hbm>>) dst(%dma_wait3A_88 : memref<64x128xf32, #tpu.memory_space<vmem>>)
        %mul3A_95 = arith.constant 2 : i32
        %mul3A_96 = arith.muli %mul3A_95, %scan3A_78 : i32
        %add3A_97 = arith.constant 0 : i32
        %add3A_98 = arith.addi %mul3A_96, %add3A_97 : i32
        "tpu.region"() ({
          %run_scoped3A = tpu.sem_alloc : memref<!tpu.dma_semaphore, #tpu.memory_space<semaphore_mem>>
          %dma_start3A_104 = arith.constant 0 : i32
          %dma_start3A_105 = arith.constant 0 : i32
          %dma_start3A_106 = tpu.memref_slice %arg10[%dma_start3A_104, %dma_start3A_105] : memref<128x128xf32, #tpu.memory_space<vmem>> -> memref<64x128xf32, #tpu.memory_space<vmem>>
          %dma_start3A_107 = arith.constant 0 : i32
          %dma_start3A_108 = tpu.memref_slice %arg9[%add3A_98, %dma_start3A_107] : memref<157x64xi32, #tpu.memory_space<vmem>> -> memref<1x64xi32, #tpu.memory_space<vmem>>
          %dma_start3A_109 = tpu.memref_squeeze %dma_start3A_108 : memref<1x64xi32, #tpu.memory_space<vmem>> -> memref<64xi32, #tpu.memory_space<vmem>>
          %dma_start3A_110 = arith.constant 0 : i32
          %dma_start3A_111 = arith.constant 0 : i32
          %dma_start3A_112 = tpu.memref_slice %arg11[%dma_start3A_110, %dma_start3A_111] : memref<10240x128xf32, #tpu.memory_space<vmem_shared>> -> memref<10240x128xf32, #tpu.memory_space<vmem_shared>>
          tpu.enqueue_indirect_dma source(%dma_start3A_106 : memref<64x128xf32, #tpu.memory_space<vmem>>) target(%dma_start3A_112 : memref<10240x128xf32, #tpu.memory_space<vmem_shared>>) offsets(%dma_start3A_109 : memref<64xi32, #tpu.memory_space<vmem>>) semaphore(%run_scoped3A : memref<!tpu.dma_semaphore, #tpu.memory_space<semaphore_mem>>) {add = true}
          %dma_wait3A_113 = arith.constant 0 : i32
          %dma_wait3A_114 = arith.constant 0 : i32
          %dma_wait3A_115 = tpu.memref_slice %arg10[%dma_wait3A_113, %dma_wait3A_114] : memref<128x128xf32, #tpu.memory_space<vmem>> -> memref<64x128xf32, #tpu.memory_space<vmem>>
          %dma_wait3A_116 = arith.constant 0 : i32
          %dma_wait3A_117 = tpu.memref_slice %arg9[%add3A_98, %dma_wait3A_116] : memref<157x64xi32, #tpu.memory_space<vmem>> -> memref<1x64xi32, #tpu.memory_space<vmem>>
          %dma_wait3A_118 = tpu.memref_squeeze %dma_wait3A_117 : memref<1x64xi32, #tpu.memory_space<vmem>> -> memref<64xi32, #tpu.memory_space<vmem>>
          %dma_wait3A_119 = arith.constant 0 : i32
          %dma_wait3A_120 = arith.constant 0 : i32
          %dma_wait3A_121 = tpu.memref_slice %arg11[%dma_wait3A_119, %dma_wait3A_120] : memref<10240x128xf32, #tpu.memory_space<vmem_shared>> -> memref<10240x128xf32, #tpu.memory_space<vmem_shared>>
          tpu.wait_indirect_dma semaphore(%run_scoped3A : memref<!tpu.dma_semaphore, #tpu.memory_space<semaphore_mem>>) src(%dma_wait3A_115 : memref<64x128xf32, #tpu.memory_space<vmem>>) dst(%dma_wait3A_121 : memref<10240x128xf32, #tpu.memory_space<vmem_shared>>)
          tpu.yield
        }) : () -> ()
        %lt3A_99 = arith.constant 25 : i32
        %lt3A_100 = arith.cmpi slt, %add3A_82, %lt3A_99 : i32
        %convert_element_type3A_101 = arith.extui %lt3A_100 : i1 to i32
        %cond3A_102 = arith.constant 0 : i32
        %cond3A_103 = arith.cmpi ne, %convert_element_type3A_101, %cond3A_102 : i32
        scf.if %cond3A_103 {
          %add3A_104 = arith.constant 1 : i32
          %add3A_105 = arith.addi %scan3A_78, %add3A_104 : i32
          %dma_start3A_106 = arith.constant 0 : i32
          %dma_start3A_107 = arith.constant 0 : i32
          %dma_start3A_108 = tpu.memref_slice %arg10[%dma_start3A_106, %dma_start3A_107] : memref<128x128xf32, #tpu.memory_space<vmem>> -> memref<64x128xf32, #tpu.memory_space<vmem>>
          %dma_start3A_109 = arith.constant 0 : i32
          %dma_start3A_110 = tpu.memref_slice %arg8[%add3A_105, %dma_start3A_109] : memref<79x128xi32, #tpu.memory_space<vmem>> -> memref<1x64xi32, #tpu.memory_space<vmem>>
          %dma_start3A_111 = tpu.memref_squeeze %dma_start3A_110 : memref<1x64xi32, #tpu.memory_space<vmem>> -> memref<64xi32, #tpu.memory_space<vmem>>
          %dma_start3A_112 = arith.constant 0 : i32
          %dma_start3A_113 = arith.constant 0 : i32
          %dma_start3A_114 = tpu.memref_slice %arg2[%dma_start3A_112, %dma_start3A_113] : memref<10000x128xf32, #tpu.memory_space<hbm>> -> memref<10000x128xf32, #tpu.memory_space<hbm>>
          tpu.enqueue_indirect_dma source(%dma_start3A_114 : memref<10000x128xf32, #tpu.memory_space<hbm>>) target(%dma_start3A_108 : memref<64x128xf32, #tpu.memory_space<vmem>>) offsets(%dma_start3A_111 : memref<64xi32, #tpu.memory_space<vmem>>) semaphore(%arg12 : memref<!tpu.dma_semaphore, #tpu.memory_space<semaphore_mem>>)
          %dma_wait3A_115 = arith.constant 64 : i32
          %dma_wait3A_116 = arith.constant 0 : i32
          %dma_wait3A_117 = tpu.memref_slice %arg10[%dma_wait3A_115, %dma_wait3A_116] : memref<128x128xf32, #tpu.memory_space<vmem>> -> memref<64x128xf32, #tpu.memory_space<vmem>>
          %dma_wait3A_118 = arith.constant 64 : i32
          %dma_wait3A_119 = tpu.memref_slice %arg8[%scan3A_78, %dma_wait3A_118] : memref<79x128xi32, #tpu.memory_space<vmem>> -> memref<1x64xi32, #tpu.memory_space<vmem>>
          %dma_wait3A_120 = tpu.memref_squeeze %dma_wait3A_119 : memref<1x64xi32, #tpu.memory_space<vmem>> -> memref<64xi32, #tpu.memory_space<vmem>>
          %dma_wait3A_121 = arith.constant 0 : i32
          %dma_wait3A_122 = arith.constant 0 : i32
          %dma_wait3A_123 = tpu.memref_slice %arg2[%dma_wait3A_121, %dma_wait3A_122] : memref<10000x128xf32, #tpu.memory_space<hbm>> -> memref<10000x128xf32, #tpu.memory_space<hbm>>
          tpu.wait_indirect_dma semaphore(%arg13 : memref<!tpu.dma_semaphore, #tpu.memory_space<semaphore_mem>>) src(%dma_wait3A_123 : memref<10000x128xf32, #tpu.memory_space<hbm>>) dst(%dma_wait3A_117 : memref<64x128xf32, #tpu.memory_space<vmem>>)
          %mul3A_124 = arith.constant 2 : i32
          %mul3A_125 = arith.muli %mul3A_124, %scan3A_78 : i32
          %add3A_126 = arith.constant 1 : i32
          %add3A_127 = arith.addi %mul3A_125, %add3A_126 : i32
          "tpu.region"() ({
            %run_scoped3A = tpu.sem_alloc : memref<!tpu.dma_semaphore, #tpu.memory_space<semaphore_mem>>
            %dma_start3A_128 = arith.constant 64 : i32
            %dma_start3A_129 = arith.constant 0 : i32
            %dma_start3A_130 = tpu.memref_slice %arg10[%dma_start3A_128, %dma_start3A_129] : memref<128x128xf32, #tpu.memory_space<vmem>> -> memref<64x128xf32, #tpu.memory_space<vmem>>
            %dma_start3A_131 = arith.constant 0 : i32
            %dma_start3A_132 = tpu.memref_slice %arg9[%add3A_127, %dma_start3A_131] : memref<157x64xi32, #tpu.memory_space<vmem>> -> memref<1x64xi32, #tpu.memory_space<vmem>>
            %dma_start3A_133 = tpu.memref_squeeze %dma_start3A_132 : memref<1x64xi32, #tpu.memory_space<vmem>> -> memref<64xi32, #tpu.memory_space<vmem>>
            %dma_start3A_134 = arith.constant 0 : i32
            %dma_start3A_135 = arith.constant 0 : i32
            %dma_start3A_136 = tpu.memref_slice %arg11[%dma_start3A_134, %dma_start3A_135] : memref<10240x128xf32, #tpu.memory_space<vmem_shared>> -> memref<10240x128xf32, #tpu.memory_space<vmem_shared>>
            tpu.enqueue_indirect_dma source(%dma_start3A_130 : memref<64x128xf32, #tpu.memory_space<vmem>>) target(%dma_start3A_136 : memref<10240x128xf32, #tpu.memory_space<vmem_shared>>) offsets(%dma_start3A_133 : memref<64xi32, #tpu.memory_space<vmem>>) semaphore(%run_scoped3A : memref<!tpu.dma_semaphore, #tpu.memory_space<semaphore_mem>>) {add = true}
            %dma_wait3A_137 = arith.constant 64 : i32
            %dma_wait3A_138 = arith.constant 0 : i32
            %dma_wait3A_139 = tpu.memref_slice %arg10[%dma_wait3A_137, %dma_wait3A_138] : memref<128x128xf32, #tpu.memory_space<vmem>> -> memref<64x128xf32, #tpu.memory_space<vmem>>
            %dma_wait3A_140 = arith.constant 0 : i32
            %dma_wait3A_141 = tpu.memref_slice %arg9[%add3A_127, %dma_wait3A_140] : memref<157x64xi32, #tpu.memory_space<vmem>> -> memref<1x64xi32, #tpu.memory_space<vmem>>
            %dma_wait3A_142 = tpu.memref_squeeze %dma_wait3A_141 : memref<1x64xi32, #tpu.memory_space<vmem>> -> memref<64xi32, #tpu.memory_space<vmem>>
            %dma_wait3A_143 = arith.constant 0 : i32
            %dma_wait3A_144 = arith.constant 0 : i32
            %dma_wait3A_145 = tpu.memref_slice %arg11[%dma_wait3A_143, %dma_wait3A_144] : memref<10240x128xf32, #tpu.memory_space<vmem_shared>> -> memref<10240x128xf32, #tpu.memory_space<vmem_shared>>
            tpu.wait_indirect_dma semaphore(%run_scoped3A : memref<!tpu.dma_semaphore, #tpu.memory_space<semaphore_mem>>) src(%dma_wait3A_139 : memref<64x128xf32, #tpu.memory_space<vmem>>) dst(%dma_wait3A_145 : memref<10240x128xf32, #tpu.memory_space<vmem_shared>>)
            tpu.yield
          }) : () -> ()
        } else {
        }
      }
      %scan3A_77 = arith.constant 13 : i32
    } else {
    }
    %barrier3A_55 = arith.constant 0 : index
    tpu.barrier barrier_id(%barrier3A_55)
    %scan3A_56 = arith.constant 0 : i32
    %scan3A_57 = arith.constant 0 : i32
    %scan3A_58 = arith.constant 5 : i32
    %scan3A_59 = arith.addi %scan3A_57, %scan3A_58 : i32
    %scan3A_60 = arith.constant 1 : i32
    scf.for %scan3A_62 = %scan3A_57 to %scan3A_59 step %scan3A_60  : i32 {
      %mul3A_63 = arith.constant 640 : i32
      %mul3A_64 = arith.muli %arg1, %mul3A_63 : i32
      %mul3A_65 = arith.constant 2 : i32
      %mul3A_66 = arith.muli %scan3A_62, %mul3A_65 : i32
      %mul3A_67 = arith.constant 64 : i32
      %mul3A_68 = arith.muli %mul3A_66, %mul3A_67 : i32
      %add3A_69 = arith.addi %mul3A_64, %mul3A_68 : i32
      "tpu.region"() ({
        %run_scoped3A = tpu.sem_alloc : memref<!tpu.dma_semaphore, #tpu.memory_space<semaphore_mem>>
        %dma_start3A_70 = arith.constant 0 : i32
        %dma_start3A_71 = tpu.memref_slice %arg11[%add3A_69, %dma_start3A_70] : memref<10240x128xf32, #tpu.memory_space<vmem_shared>> -> memref<128x128xf32, #tpu.memory_space<vmem_shared>>
        %dma_start3A_72 = arith.constant 0 : i32
        %dma_start3A_73 = tpu.memref_slice %arg11[%add3A_69, %dma_start3A_72] : memref<10240x128xf32, #tpu.memory_space<vmem_shared>> -> memref<128x128xf32, #tpu.memory_space<vmem_shared>>
        tpu.enqueue_dma source(%dma_start3A_73 : memref<128x128xf32, #tpu.memory_space<vmem_shared>>) target(%arg10 : memref<128x128xf32, #tpu.memory_space<vmem>>) target_semaphore(%run_scoped3A : memref<!tpu.dma_semaphore, #tpu.memory_space<semaphore_mem>>)
        %dma_wait3A = arith.constant 0 : i32
        %dma_wait3A_74 = tpu.memref_slice %arg11[%add3A_69, %dma_wait3A] : memref<10240x128xf32, #tpu.memory_space<vmem_shared>> -> memref<128x128xf32, #tpu.memory_space<vmem_shared>>
        %dma_wait3A_75 = arith.constant 0 : i32
        %dma_wait3A_76 = tpu.memref_slice %arg11[%add3A_69, %dma_wait3A_75] : memref<10240x128xf32, #tpu.memory_space<vmem_shared>> -> memref<128x128xf32, #tpu.memory_space<vmem_shared>>
        tpu.wait_dma2 semaphore(%run_scoped3A : memref<!tpu.dma_semaphore, #tpu.memory_space<semaphore_mem>>) src(%dma_wait3A_76 : memref<128x128xf32, #tpu.memory_space<vmem_shared>>) dst(%arg10 : memref<128x128xf32, #tpu.memory_space<vmem>>)
        tpu.yield
      }) : () -> ()
      "tpu.region"() ({
        %run_scoped3A = tpu.sem_alloc : memref<!tpu.dma_semaphore, #tpu.memory_space<semaphore_mem>>
        %dma_start3A_70 = arith.constant 0 : i32
        %dma_start3A_71 = tpu.memref_slice %arg7[%arg0, %add3A_69, %dma_start3A_70] : memref<2x10240x128xf32, #tpu.memory_space<hbm>> -> memref<1x128x128xf32, #tpu.memory_space<hbm>>
        %dma_start3A_72 = tpu.memref_squeeze %dma_start3A_71 : memref<1x128x128xf32, #tpu.memory_space<hbm>> -> memref<128x128xf32, #tpu.memory_space<hbm>>
        %dma_start3A_73 = arith.constant 0 : i32
        %dma_start3A_74 = tpu.memref_slice %arg7[%arg0, %add3A_69, %dma_start3A_73] : memref<2x10240x128xf32, #tpu.memory_space<hbm>> -> memref<1x128x128xf32, #tpu.memory_space<hbm>>
        %dma_start3A_75 = tpu.memref_squeeze %dma_start3A_74 : memref<1x128x128xf32, #tpu.memory_space<hbm>> -> memref<128x128xf32, #tpu.memory_space<hbm>>
        tpu.enqueue_dma source(%arg10 : memref<128x128xf32, #tpu.memory_space<vmem>>) target(%dma_start3A_75 : memref<128x128xf32, #tpu.memory_space<hbm>>) target_semaphore(%run_scoped3A : memref<!tpu.dma_semaphore, #tpu.memory_space<semaphore_mem>>)
        %dma_wait3A = arith.constant 0 : i32
        %dma_wait3A_76 = tpu.memref_slice %arg7[%arg0, %add3A_69, %dma_wait3A] : memref<2x10240x128xf32, #tpu.memory_space<hbm>> -> memref<1x128x128xf32, #tpu.memory_space<hbm>>
        %dma_wait3A_77 = tpu.memref_squeeze %dma_wait3A_76 : memref<1x128x128xf32, #tpu.memory_space<hbm>> -> memref<128x128xf32, #tpu.memory_space<hbm>>
        %dma_wait3A_78 = arith.constant 0 : i32
        %dma_wait3A_79 = tpu.memref_slice %arg7[%arg0, %add3A_69, %dma_wait3A_78] : memref<2x10240x128xf32, #tpu.memory_space<hbm>> -> memref<1x128x128xf32, #tpu.memory_space<hbm>>
        %dma_wait3A_80 = tpu.memref_squeeze %dma_wait3A_79 : memref<1x128x128xf32, #tpu.memory_space<hbm>> -> memref<128x128xf32, #tpu.memory_space<hbm>>
        tpu.wait_dma2 semaphore(%run_scoped3A : memref<!tpu.dma_semaphore, #tpu.memory_space<semaphore_mem>>) src(%arg10 : memref<128x128xf32, #tpu.memory_space<vmem>>) dst(%dma_wait3A_80 : memref<128x128xf32, #tpu.memory_space<hbm>>)
        tpu.yield
      }) : () -> ()
    }
    %scan3A_61 = arith.constant 5 : i32
    return
  }
}

module attributes {stable_mosaic.version = 14 : i64} {
  func.func @_mm_body(%arg0: i32, %arg1: memref<2000x128xf32, #tpu.memory_space<vmem>>, %arg2: memref<128x128xf32, #tpu.memory_space<vmem>>, %arg3: memref<2000x2xf32, #tpu.memory_space<vmem>>, %arg4: memref<2000x128xf32, #tpu.memory_space<vmem>>) attributes {dimension_semantics = [#tpu.dimension_semantics<arbitrary>], iteration_bounds = array<i64: 5>, scalar_prefetch = 0 : i64, scratch_operands = 0 : i64, tpu.core_type = #tpu.core_type<tc>, window_params = [{transform_indices = @transform_0, window_bounds = array<i64: 2000, 128>}, {pipeline_mode = #tpu.pipeline_mode<synchronous>, transform_indices = @transform_1, window_bounds = array<i64: 128, 128>}, {transform_indices = @transform_2, window_bounds = array<i64: 2000, 2>}, {transform_indices = @transform_3, window_bounds = array<i64: 2000, 128>}]} {
    %get3A = arith.constant 0 : index
    %get3A_0 = arith.constant 0 : index
    %get3A_1 = vector.load %arg1[%get3A, %get3A_0] : memref<2000x128xf32, #tpu.memory_space<vmem>>, vector<2000x128xf32>
    %get3A_2 = arith.constant 0 : index
    %get3A_3 = arith.constant 0 : index
    %get3A_4 = vector.load %arg2[%get3A_2, %get3A_3] : memref<128x128xf32, #tpu.memory_space<vmem>>, vector<128x128xf32>
    %dot_general3A = arith.constant dense<0.000000e+00> : vector<2000x128xf32>
    %dot_general3A_5 = tpu.matmul %get3A_1, %get3A_4, %dot_general3A {dimension_numbers = #tpu.dot_dimension_numbers<[1], [0], [0], [1], [0, 0, 1, 1], [], []>, precision = #tpu.contract_precision<fp32>, transpose_lhs_hint = false} : vector<2000x128xf32>, vector<128x128xf32>, vector<2000x128xf32> -> vector<2000x128xf32>
    %get3A_6 = arith.constant 0 : index
    %get3A_7 = arith.constant 0 : index
    %get3A_8 = vector.load %arg3[%get3A_6, %get3A_7] : memref<2000x2xf32, #tpu.memory_space<vmem>>, vector<2000x1xf32>
    %get3A_9 = arith.constant 0 : index
    %get3A_10 = arith.constant 1 : index
    %get3A_11 = vector.load %arg3[%get3A_9, %get3A_10] : memref<2000x2xf32, #tpu.memory_space<vmem>>, vector<2000x1xf32>
    %add3A = arith.addf %get3A_8, %get3A_11 : vector<2000x1xf32>
    %add3A_12 = arith.constant 1.000000e+00 : f32
    %add3A_13 = vector.broadcast %add3A_12 : f32 to vector<2000x1xf32>
    %add3A_14 = arith.addf %add3A, %add3A_13 : vector<2000x1xf32>
    %rsqrt3A = math.rsqrt %add3A_14 : vector<2000x1xf32>
    %mul3A = vector.broadcast %rsqrt3A : vector<2000x1xf32> to vector<2000x128xf32>
    %mul3A_15 = arith.mulf %dot_general3A_5, %mul3A : vector<2000x128xf32>
    %swap3A = arith.constant 0 : index
    %swap3A_16 = arith.constant 0 : index
    %swap3A_17 = vector.load %arg4[%swap3A, %swap3A_16] : memref<2000x128xf32, #tpu.memory_space<vmem>>, vector<2000x128xf32>
    tpu.vector_store %arg4[%swap3A, %swap3A_16], %mul3A_15 {strides = array<i32>} : memref<2000x128xf32, #tpu.memory_space<vmem>>, vector<2000x128xf32>,
    return
  }
  func.func @transform_0(%arg0: i32) -> (i32, i32) {
    %c0_i32 = arith.constant 0 : i32
    %c0_i32_0 = arith.constant 0 : i32
    return %arg0, %c0_i32 : i32, i32
  }
  func.func @transform_1(%arg0: i32) -> (i32, i32) {
    %c0_i32 = arith.constant 0 : i32
    %c0_i32_0 = arith.constant 0 : i32
    %c0_i32_1 = arith.constant 0 : i32
    return %c0_i32, %c0_i32_0 : i32, i32
  }
  func.func @transform_2(%arg0: i32) -> (i32, i32) {
    %c0_i32 = arith.constant 0 : i32
    %c0_i32_0 = arith.constant 0 : i32
    return %arg0, %c0_i32 : i32, i32
  }
  func.func @transform_3(%arg0: i32) -> (i32, i32) {
    %c0_i32 = arith.constant 0 : i32
    %c0_i32_0 = arith.constant 0 : i32
    return %arg0, %c0_i32 : i32, i32
  }
}

module attributes {stable_mosaic.version = 14 : i64} {
  func.func @_ln_body(%arg0: i32, %arg1: memref<2000x128xf32, #tpu.memory_space<vmem>>, %arg2: memref<2000x128xf32, #tpu.memory_space<vmem>>, %arg3: memref<2x2000x128xf32, #tpu.memory_space<vmem>>, %arg4: memref<2000x2xf32, #tpu.memory_space<vmem>>, %arg5: memref<1x128xf32, #tpu.memory_space<vmem>>, %arg6: memref<1x128xf32, #tpu.memory_space<vmem>>, %arg7: memref<1x128xf32, #tpu.memory_space<vmem>>, %arg8: memref<2000x128xf32, #tpu.memory_space<vmem>>) attributes {dimension_semantics = [#tpu.dimension_semantics<arbitrary>], iteration_bounds = array<i64: 5>, scalar_prefetch = 0 : i64, scratch_operands = 0 : i64, tpu.core_type = #tpu.core_type<tc>, window_params = [{transform_indices = @transform_0, window_bounds = array<i64: 2000, 128>}, {transform_indices = @transform_1, window_bounds = array<i64: 2000, 128>}, {transform_indices = @transform_2, window_bounds = array<i64: 2, 2000, 128>}, {transform_indices = @transform_3, window_bounds = array<i64: 2000, 2>}, {pipeline_mode = #tpu.pipeline_mode<synchronous>, transform_indices = @transform_4, window_bounds = array<i64: 1, 128>}, {pipeline_mode = #tpu.pipeline_mode<synchronous>, transform_indices = @transform_5, window_bounds = array<i64: 1, 128>}, {pipeline_mode = #tpu.pipeline_mode<synchronous>, transform_indices = @transform_6, window_bounds = array<i64: 1, 128>}, {transform_indices = @transform_7, window_bounds = array<i64: 2000, 128>}]} {
    %get3A = arith.constant 0 : index
    %get3A_0 = arith.constant 0 : index
    %get3A_1 = vector.load %arg4[%get3A, %get3A_0] : memref<2000x2xf32, #tpu.memory_space<vmem>>, vector<2000x1xf32>
    %get3A_2 = arith.constant 0 : index
    %get3A_3 = arith.constant 1 : index
    %get3A_4 = vector.load %arg4[%get3A_2, %get3A_3] : memref<2000x2xf32, #tpu.memory_space<vmem>>, vector<2000x1xf32>
    %add3A = arith.addf %get3A_1, %get3A_4 : vector<2000x1xf32>
    %add3A_5 = arith.constant 1.000000e+00 : f32
    %add3A_6 = vector.broadcast %add3A_5 : f32 to vector<2000x1xf32>
    %add3A_7 = arith.addf %add3A, %add3A_6 : vector<2000x1xf32>
    %rsqrt3A = math.rsqrt %add3A_7 : vector<2000x1xf32>
    %get3A_8 = arith.constant 0 : index
    %get3A_9 = arith.constant 0 : index
    %get3A_10 = arith.constant 0 : index
    %get3A_11 = vector.load %arg3[%get3A_8, %get3A_9, %get3A_10] : memref<2x2000x128xf32, #tpu.memory_space<vmem>>, vector<1x2000x128xf32>
    %get3A_12 = vector.shape_cast %get3A_11 : vector<1x2000x128xf32> to vector<2000x128xf32>
    %get3A_13 = arith.constant 1 : index
    %get3A_14 = arith.constant 0 : index
    %get3A_15 = arith.constant 0 : index
    %get3A_16 = vector.load %arg3[%get3A_13, %get3A_14, %get3A_15] : memref<2x2000x128xf32, #tpu.memory_space<vmem>>, vector<1x2000x128xf32>
    %get3A_17 = vector.shape_cast %get3A_16 : vector<1x2000x128xf32> to vector<2000x128xf32>
    %add3A_18 = arith.addf %get3A_12, %get3A_17 : vector<2000x128xf32>
    %get3A_19 = arith.constant 0 : index
    %get3A_20 = arith.constant 0 : index
    %get3A_21 = vector.load %arg2[%get3A_19, %get3A_20] : memref<2000x128xf32, #tpu.memory_space<vmem>>, vector<2000x128xf32>
    %add3A_22 = arith.addf %add3A_18, %get3A_21 : vector<2000x128xf32>
    %mul3A = vector.broadcast %rsqrt3A : vector<2000x1xf32> to vector<2000x128xf32>
    %mul3A_23 = arith.mulf %add3A_22, %mul3A : vector<2000x128xf32>
    %get3A_24 = arith.constant 0 : index
    %get3A_25 = arith.constant 0 : index
    %get3A_26 = vector.load %arg5[%get3A_24, %get3A_25] : memref<1x128xf32, #tpu.memory_space<vmem>>, vector<1x128xf32>
    %add3A_27 = vector.broadcast %get3A_26 : vector<1x128xf32> to vector<2000x128xf32>
    %add3A_28 = arith.addf %mul3A_23, %add3A_27 : vector<2000x128xf32>
    %get3A_29 = arith.constant 0 : index
    %get3A_30 = arith.constant 0 : index
    %get3A_31 = vector.load %arg1[%get3A_29, %get3A_30] : memref<2000x128xf32, #tpu.memory_space<vmem>>, vector<2000x128xf32>
    %add3A_32 = arith.addf %get3A_31, %add3A_28 : vector<2000x128xf32>
    %reduce_sum3A = arith.constant dense<0.000000e+00> : vector<2000xf32>
    %reduce_sum3A_33 = vector.multi_reduction <add>, %add3A_32, %reduce_sum3A [1] : vector<2000x128xf32> to vector<2000xf32>
    %broadcast_in_dim3A = vector.shape_cast %reduce_sum3A_33 : vector<2000xf32> to vector<2000x1xf32>
    %div3A = arith.constant 1.280000e+02 : f32
    %div3A_34 = vector.broadcast %div3A : f32 to vector<2000x1xf32>
    %div3A_35 = arith.divf %broadcast_in_dim3A, %div3A_34 : vector<2000x1xf32>
    %sub3A = vector.broadcast %div3A_35 : vector<2000x1xf32> to vector<2000x128xf32>
    %sub3A_36 = arith.subf %add3A_32, %sub3A : vector<2000x128xf32>
    %mul3A_37 = arith.mulf %sub3A_36, %sub3A_36 : vector<2000x128xf32>
    %reduce_sum3A_38 = arith.constant dense<0.000000e+00> : vector<2000xf32>
    %reduce_sum3A_39 = vector.multi_reduction <add>, %mul3A_37, %reduce_sum3A_38 [1] : vector<2000x128xf32> to vector<2000xf32>
    %broadcast_in_dim3A_40 = vector.shape_cast %reduce_sum3A_39 : vector<2000xf32> to vector<2000x1xf32>
    %div3A_41 = arith.constant 1.280000e+02 : f32
    %div3A_42 = vector.broadcast %div3A_41 : f32 to vector<2000x1xf32>
    %div3A_43 = arith.divf %broadcast_in_dim3A_40, %div3A_42 : vector<2000x1xf32>
    %add3A_44 = arith.constant 9.99999974E-6 : f32
    %add3A_45 = vector.broadcast %add3A_44 : f32 to vector<2000x1xf32>
    %add3A_46 = arith.addf %div3A_43, %add3A_45 : vector<2000x1xf32>
    %rsqrt3A_47 = math.rsqrt %add3A_46 : vector<2000x1xf32>
    %mul3A_48 = vector.broadcast %rsqrt3A_47 : vector<2000x1xf32> to vector<2000x128xf32>
    %mul3A_49 = arith.mulf %sub3A_36, %mul3A_48 : vector<2000x128xf32>
    %get3A_50 = arith.constant 0 : index
    %get3A_51 = arith.constant 0 : index
    %get3A_52 = vector.load %arg6[%get3A_50, %get3A_51] : memref<1x128xf32, #tpu.memory_space<vmem>>, vector<1x128xf32>
    %mul3A_53 = vector.broadcast %get3A_52 : vector<1x128xf32> to vector<2000x128xf32>
    %mul3A_54 = arith.mulf %mul3A_49, %mul3A_53 : vector<2000x128xf32>
    %get3A_55 = arith.constant 0 : index
    %get3A_56 = arith.constant 0 : index
    %get3A_57 = vector.load %arg7[%get3A_55, %get3A_56] : memref<1x128xf32, #tpu.memory_space<vmem>>, vector<1x128xf32>
    %add3A_58 = vector.broadcast %get3A_57 : vector<1x128xf32> to vector<2000x128xf32>
    %add3A_59 = arith.addf %mul3A_54, %add3A_58 : vector<2000x128xf32>
    %swap3A = arith.constant 0 : index
    %swap3A_60 = arith.constant 0 : index
    %swap3A_61 = vector.load %arg8[%swap3A, %swap3A_60] : memref<2000x128xf32, #tpu.memory_space<vmem>>, vector<2000x128xf32>
    tpu.vector_store %arg8[%swap3A, %swap3A_60], %add3A_59 {strides = array<i32>} : memref<2000x128xf32, #tpu.memory_space<vmem>>, vector<2000x128xf32>,
    return
  }
  func.func @transform_0(%arg0: i32) -> (i32, i32) {
    %c0_i32 = arith.constant 0 : i32
    %c0_i32_0 = arith.constant 0 : i32
    return %arg0, %c0_i32 : i32, i32
  }
  func.func @transform_1(%arg0: i32) -> (i32, i32) {
    %c0_i32 = arith.constant 0 : i32
    %c0_i32_0 = arith.constant 0 : i32
    return %arg0, %c0_i32 : i32, i32
  }
  func.func @transform_2(%arg0: i32) -> (i32, i32, i32) {
    %c0_i32 = arith.constant 0 : i32
    %c0_i32_0 = arith.constant 0 : i32
    %c0_i32_1 = arith.constant 0 : i32
    return %c0_i32, %arg0, %c0_i32_0 : i32, i32, i32
  }
  func.func @transform_3(%arg0: i32) -> (i32, i32) {
    %c0_i32 = arith.constant 0 : i32
    %c0_i32_0 = arith.constant 0 : i32
    return %arg0, %c0_i32 : i32, i32
  }
  func.func @transform_4(%arg0: i32) -> (i32, i32) {
    %c0_i32 = arith.constant 0 : i32
    %c0_i32_0 = arith.constant 0 : i32
    %c0_i32_1 = arith.constant 0 : i32
    return %c0_i32, %c0_i32_0 : i32, i32
  }
  func.func @transform_5(%arg0: i32) -> (i32, i32) {
    %c0_i32 = arith.constant 0 : i32
    %c0_i32_0 = arith.constant 0 : i32
    %c0_i32_1 = arith.constant 0 : i32
    return %c0_i32, %c0_i32_0 : i32, i32
  }
  func.func @transform_6(%arg0: i32) -> (i32, i32) {
    %c0_i32 = arith.constant 0 : i32
    %c0_i32_0 = arith.constant 0 : i32
    %c0_i32_1 = arith.constant 0 : i32
    return %c0_i32, %c0_i32_0 : i32, i32
  }
  func.func @transform_7(%arg0: i32) -> (i32, i32) {
    %c0_i32 = arith.constant 0 : i32
    %c0_i32_0 = arith.constant 0 : i32
    return %arg0, %c0_i32 : i32, i32
  }
}

</mosaic_0001>

<sc_bundles>
// kernel: kernel.6.cloned.1.call-start
scs
__scs_entry_jumppad:
0x0: {  	(pc) =	sbr.rel $0x88, $3  }
0x1: {  	(tag) =	ssettag $0x0;
	lr =	simm.s32 $0x1  }
0x2: {  	[smem:$0x3F9B] =	sst lr;
	_ =	strace $0xD0000000  }
0x3: {  	_ = 	snop  }
0x4: {  	_ = 	snop  }
0x5: {  	_ = 	snop  }
0x6: {  	_ = 	snop  }
0x7: {  	_ = 	snop  }
__scs_overlays_trampoline_lowered:
0x8: {  	[smem:$0x3FAA] =	sst s0  }
0x9: {  	[smem:$0x3FAB] =	sst s1  }
0xa: {  	[smem:$0x3FAC] =	sst s2  }
0xb: {  	[smem:$0x3FAD] =	sst s3  }
0xc: {  	[smem:$0x3FAE] =	sst s4  }
0xd: {  	[smem:$0x3FAF] =	sst s5  }
0xe: {  	[smem:$0x3FB0] =	sst s6  }
0xf: {  	[smem:$0x3FB1] =	sst s7  }
0x10: {  	[smem:$0x3FB2] =	sst s8  }
0x11: {  	[smem:$0x3FB3] =	sst s9;
	s0 =	simm.s32 @!p0 $0x0  }
0x12: {  	s1 =	sld [smem:$0x3F99];
	s0 =	simm.s32 @p0 $0x1  }
0x13: {  	[smem:$0x3FB4] =	sst s0;
	s0 =	simm.s32 @!p1 $0x0  }
0x14: {  	s2 =	sld [smem:$0x3F98];
	s0 =	simm.s32 @p1 $0x1  }
0x15: {  	[smem:$0x3FB5] =	sst s0;
	s0 =	simm.s32 @!p2 $0x0  }
0x16: {  	s3 =	sld [smem:$0x3FDB];
	s0 =	simm.s32 @p2 $0x1  }
0x17: {  	s4 =	simm.s32 $0x1BF5;
	[smem:$0x3FB7] =	sst s0  }
0x18: {  	s0 =	sld [smem:$0x3F9A];
	_ =	swait.ge [sflag:s4], $0x0  }
0x19: {  	s7 =	sld [smem:$0x3F9B]  }
0x1a: {  	s8 =	sadd.s32 $0xFFFFE003, lr  }
0x1b: {  	s9 =	sadd.s32 $0xFFFFFEF7, lr;
	s5 =	simm.s32 $0xFFFFFFFF;
	p2 =	slt.u32 s8, $0xFFFFF086  }
0x1c: {  	p1 =	slt.u32 s9, $0xF7A;
	s5 =	simm.s32 @!p2 $0x0  }
0x1d: {  	s5 =	simm.s32 @p1 $0x1;
	p0 =	seq.s32 s7, s2  }
0x1e: {  	s7 =	smul.u32 @!p0 $0xF7A, s2;
	p2 =	seq.s32 @!p0 s5, $0x0  }
0x1f: {  	s9 =	smul.u32 $0xF7A, s1;
	s8 =	simm.s32 @!p0 $0x1BF5;
	p2 =	por !p2, p0  }
0x20: {  	[sflag:s8] =	ssyncset.s32 @!p0 $0xFFFFF086;
	s6 =	sadd.s32 @!p0 s3, s7;
	s7 =	simm.s32 @!p0 $0x108  }
0x21: {  	s3 =	sadd.s32 s3, s9;
	s6 =	sadd.s32 @!p0 $0x88, s6;
	s7 =	simm.s32 @p2 $0x1082  }
0x22: {  	[simem:s7], [sflag:s8] =	dma.local @!p0 [hbm:s6], $0xF7A  }
0x23: {  	s9 =	sor.u32 $0xD0000000, s2;
	s6 =	simm.s32 $0x108;
	_ =	swait.ge @!p0 [sflag:s8], $0x0  }
0x24: {  	s3 =	sadd.s32 $0x88, s3;
	s6 =	simm.s32 @!p1 $0x1082;
	[sflag:s4] =	ssyncset.s32 $0xFFFFF086  }
0x25: {  	[simem:s6], [sflag:s4] =	dma.local [hbm:s3], $0xF7A  }
0x26: {  	[smem:$0x3F9B] =	sst s1;
	(tag) =	ssettag s2;
	_ =	strace s9  }
0x27: {  	s1 =	sld [smem:$0x3FAB]  }
0x28: {  	s2 =	sld [smem:$0x3FAC]  }
0x29: {  	s4 =	sld [smem:$0x3FAE]  }
0x2a: {  	p0 =	seq.s32 s5, $0x0;
	s5 =	sld [smem:$0x3FAF]  }
0x2b: {  	s6 =	sld [smem:$0x3FB0]  }
0x2c: {  	s7 =	sld [smem:$0x3FB1]  }
0x2d: {  	s3 =	simm.s32 $0x108;
	s8 =	sld [smem:$0x3FB2]  }
0x2e: {  	s3 =	simm.s32 @!p0 $0x1082;
	s9 =	sld [smem:$0x3FB3]  }
0x2f: {  	lr =	sadd.s32 s0, s3;
	s0 =	sld [smem:$0x3FAA]  }
0x30: {  	s3 =	sld [smem:$0x3FAD]  }
0x31: {  	[smem:$0x3FB6] =	sst s10  }
0x32: {  	s10 =	sld [smem:$0x3FB4];
	_ =	sdelay $0x3  }
0x33: {  	p0 =	seq.s32 s10, $0x1;
	s10 =	sld [smem:$0x3FB6];
	_ =	sdelay $0x3  }
0x34: {  	[smem:$0x3FB6] =	sst s10  }
0x35: {  	s10 =	sld [smem:$0x3FB5];
	_ =	sdelay $0x3  }
0x36: {  	p1 =	seq.s32 s10, $0x1;
	s10 =	sld [smem:$0x3FB6];
	_ =	sdelay $0x3  }
0x37: {  	[smem:$0x3FB6] =	sst s10  }
0x38: {  	s10 =	sld [smem:$0x3FB7]  }
0x39: {  	_ = 	snop;
	(pc) =	sbr.ind lr, $3  }
0x3a: {  	_ = 	snop  }
0x3b: {  	_ = 	snop  }
0x3c: {  	p2 =	seq.s32 s10, $0x1;
	s10 =	sld [smem:$0x3FB6]  }
0x3d: {  	_ =	shalt  }
0x3e: {  	_ =	shalt  }
0x3f: {  	_ =	shalt  }
0x40: {  	_ =	shalt  }
0x41: {  	_ =	shalt  }
0x42: {  	_ =	shalt  }
0x43: {  	_ =	shalt  }
0x44: {  	_ =	shalt  }
0x45: {  	_ =	shalt  }
0x46: {  	_ =	shalt  }
0x47: {  	_ =	shalt  }
0x48: {  	_ =	shalt  }
0x49: {  	_ =	shalt  }
0x4a: {  	_ =	shalt  }
0x4b: {  	_ =	shalt  }
0x4c: {  	_ =	shalt  }
0x4d: {  	_ =	shalt  }
0x4e: {  	_ =	shalt  }
0x4f: {  	_ =	shalt  }
0x50: {  	_ =	shalt  }
0x51: {  	_ =	shalt  }
0x52: {  	_ =	shalt  }
0x53: {  	_ =	shalt  }
0x54: {  	_ =	shalt  }
0x55: {  	_ =	shalt  }
0x56: {  	_ =	shalt  }
0x57: {  	_ =	shalt  }
0x58: {  	_ =	shalt  }
0x59: {  	_ =	shalt  }
0x5a: {  	_ =	shalt  }
0x5b: {  	_ =	shalt  }
0x5c: {  	_ =	shalt  }
0x5d: {  	_ =	shalt  }
0x5e: {  	_ =	shalt  }
0x5f: {  	_ =	shalt  }
0x60: {  	_ =	shalt  }
0x61: {  	_ =	shalt  }
0x62: {  	_ =	shalt  }
0x63: {  	_ =	shalt  }
0x64: {  	_ =	shalt  }
0x65: {  	_ =	shalt  }
0x66: {  	_ =	shalt  }
0x67: {  	_ =	shalt  }
0x68: {  	_ =	shalt  }
0x69: {  	_ =	shalt  }
0x6a: {  	_ =	shalt  }
0x6b: {  	_ =	shalt  }
0x6c: {  	_ =	shalt  }
0x6d: {  	_ =	shalt  }
0x6e: {  	_ =	shalt  }
0x6f: {  	_ =	shalt  }
0x70: {  	_ =	shalt  }
0x71: {  	_ =	shalt  }
0x72: {  	_ =	shalt  }
0x73: {  	_ =	shalt  }
0x74: {  	_ =	shalt  }
0x75: {  	_ =	shalt  }
0x76: {  	_ =	shalt  }
0x77: {  	_ =	shalt  }
0x78: {  	_ =	shalt  }
0x79: {  	_ =	shalt  }
0x7a: {  	_ =	shalt  }
0x7b: {  	_ =	shalt  }
0x7c: {  	_ =	shalt  }
0x7d: {  	_ =	shalt  }
0x7e: {  	_ =	shalt  }
0x7f: {  	_ =	shalt  }
0x80: {  	_ =	shalt  }
0x81: {  	_ =	shalt  }
0x82: {  	_ =	shalt  }
0x83: {  	_ =	shalt  }
0x84: {  	_ =	shalt  }
0x85: {  	_ =	shalt  }
0x86: {  	_ =	shalt  }
0x87: {  	_ =	shalt  }
.Lfunc_end0:
.L_simem_size_0:
called_computation_lowered:
.L_overlay_start_0:
0x88: {  	s2 =	sld [smem:$0x3FD9]  }
0x89: {  	s3 =	sld [smem:$0x3FFE];
	_ =	sdelay $0x1  }
0x8a: {  	s1 =	srdreg.scid  }
0x8b: {  	s0 =	sand.u32 $0x1, s1  }
0x8c: {  	s17 =	sshll.u32 s0, $0xA;
	s2 =	sadd.s32 s3, s2  }
0x8d: {  	s2 =	sadd.s32 s2, s17  }
0x8e: {  	[smem:$0x3FC2] =	sst s2  }
0x8f: {  	_ = 	snop  }
0x90: {  	s2 =	sld [smem:$0x3FD0];
	(tm) =	ssettm $0x1  }
0x91: {  	s18 =	sld [smem:$0x3FFB];
	_ =	sdelay $0x3  }
0x92: {  	_ =	strace s18  }
0x93: {  	s3 =	sld [smem:$0x3FFC];
	_ =	sdelay $0x3  }
0x94: {  	_ =	strace s3  }
0x95: {  	s3 =	sld [smem:$0x3FFD];
	_ =	sdelay $0x3  }
0x96: {  	_ =	strace s3  }
0x97: {  	_ =	strace $0x8FFFFFFF  }
0x98: {  	s19 =	sld [smem:$0x3FDB];
	_ =	sdelay $0x1  }
0x99: {  	s4 =	simm.s32 $_scs_section_size  }
0x9a: {  	s5 =	simm.s32 $_size__tile_overlayer_lowered;
	s6 =	simm.s32 $_tile_overlayer_lowered  }
0x9b: {  	s22 =	simm.s32 $0x1BFF;
	s21 =	sshll.u32 s6, $0x1;
	s3 =	sadd.s32 s4, s19  }
0x9c: {  	s7 =	simm.s32 $0x0;
	s20 =	sshll.u32 s5, $0x1;
	s5 =	sadd.s32 s21, s3  }
0x9d: {  	[timem:s7], [sflag:s22] =	dma.local [hbm:s5], s20  }
0x9e: {  	_ =	swait.ge [sflag:s22], s20  }
0x9f: {  	s4 =	ssub.s32 $0x0, s20;
	[sflag:s22] =	ssyncset.done $0x0  }
0xa0: {  	[sflag:s22] =	ssyncadd.s32 s4;
	_ =	sdelay $0x1  }
0xa1: {  	s23 =	simm.s32 $0x1B8B  }
0xa2: {  	_ =	swait.ge [sflag:s23], $0x1  }
0xa3: {  	[sflag:s23] =	ssyncset.done $0x0  }
0xa4: {  	s25 =	simm.s32 $0x1B8E;
	s24 =	sld [smem:$0x3FFE];
	[sflag:s23] =	ssyncadd.s32 $0xFFFFFFFF  }
0xa5: {  	s26 =	simm.s32 $execute0_lowered;
	[smem:$0x3FD2] =	sst s25  }
0xa6: {  	s5 =	sshll.u32 s26, $0x1;
	_ =	strace $0x80000046;
	[dreg:$0x1] =	wrdreg $0xFFFFFFFF  }
0xa7: {  	s28 =	simm.s32 $_size_execute0_lowered;
	s3 =	sadd.s32 s3, s5;
	[dreg:$0x0] =	wrdreg $0x0  }
0xa8: {  	s5 =	sshll.u32 s28, $0x1;
	[dreg:$0x2] =	wrdreg s3  }
0xa9: {  	[dreg:$0x3] =	wrdreg s5  }
0xaa: {  	[dreg:$0x4] =	wrdreg $0xC0  }
0xab: {  	_ =	task [dreg:s7], $0x5FFFF  }
0xac: {  	[dreg:$0x1] =	wrdreg $0xFFFFFFFF  }
0xad: {  	[dreg:$0x0] =	wrdreg $0x60  }
0xae: {  	[dreg:$0x2] =	wrdreg s2  }
0xaf: {  	[dreg:$0x3] =	wrdreg s24  }
0xb0: {  	[dreg:$0x4] =	wrdreg $0x43000  }
0xb1: {  	[dreg:$0x5] =	wrdreg $0x9  }
0xb2: {  	_ =	task.clear_ibuf [dreg:s7], $0x6FFFF;
	_ =	strace $0x90000046  }
0xb3: {  	s29 =	simm.s32 $0x9;
	_ =	strace $0x80000048  }
0xb4: {  	_ =	swait.ge [sflag:s29], $0x1  }
0xb5: {  	[sflag:s29] =	ssyncadd.s32 $0xFFFFFFFF  }
0xb6: {  	_ =	strace $0x90000048  }
0xb7: {  	_ =	sfence  }
0xb8: {  	s30 =	sld [smem:$0x0];
	_ =	sdelay $0x2  }
0xb9: {  	s31 =	sshll.u32 s1, $0xD;
	s1 =	sshrl.u32 s1, $0x2  }
0xba: {  	s3 =	sand.u32 $0x4000, s31;
	s1 =	sadd.s32 s1, s30  }
0xbb: {  	s0 =	sor.u32 s3, s0;
	s1 =	sshll.u32 s1, $0x11  }
0xbc: {  	s0 =	sor.u32 s1, s0  }
0xbd: {  	s0 =	sadd.s32 $0x8F2B, s0  }
0xbe: {  	[sflag:s0] =	ssyncadd.remote.s32 $0x1  }
0xbf: {  	_ =	sfence.sel $0xFFFF  }
0xc0: {  	[dreg:$0x0] =	wrdreg $0xFFFFFFFF;
	(pc) =	sbr.abs _section_cstart, $3  }
0xc1: {  	[dreg:$0x1] =	wrdreg $0xFFFFFFFF  }
0xc2: {  	_ =	task.clear_ibuf [dreg:s7], $0x2FFFF;
	_ =	strace $0x9FFFFFFF  }
0xc3: {  	(tm) =	ssettm $0x7FFFFFFF  }
tec
execute0_lowered:
.L_overlay_start_1:
0x0: {  	(tag) =	ssettag $0x1  }
0x1: {  	s4 =	rddreg [dreg:$0x0]  }
0x2: {  	s5 =	rddreg [dreg:$0x1]  }
0x3: {  	s2 =	rddreg [dreg:$0x2]  }
0x4: {  	s0 =	rddreg [dreg:$0x3]  }
0x5: {  	s6 =	srdreg.scid;
	s1 =	stileid.u32;
	s3 =	simm.s32 $0x0  }
0x6: {  	s11 =	simm.s32 $0x4000;
	s12 =	simm.s32 $0x80;
	s13 =	simm.s32 $0x100  }
0x7: {  	s14 =	simm.s32 $0x0;
	s6 =	sand.u32 $0x1, s6;
	s7 =	smul.u32 $0x500, s1  }
0x8: {  	[smem:$0x7FF] =	sst s3;
	s9 =	smul.u32 $0xA00, s1;
	s10 =	sshll.u32 s1, $0xC  }
0x9: {  	s8 =	sshll.u32 s6, $0x7;
	_ =	strace $0x80000047;
	s30 =	ssub.s32 $0x2, s6  }
0xa: {  	s6 =	sshll.u32 s6, $0xB;
	s7 =	sor.u32 s8, s7;
	s31 =	sshrl.u32 s30, $0x1  }
0xb: {  	s9 =	sshrl.u32 s9, $0x2;
	s6 =	sadd.s32 s4, s6;
	s7 =	sshrl.u32 s7, $0x3  }
0xc: {  	s8 =	ssub.s32 s30, s31;
	s4 =	sadd.s32 s9, s2;
	s9 =	simm.s32 $0x1  }
0xd: {  	s7 =	sadd.s32 s7, s5;
	s5 =	sadd.s32 s10, s6;
	s10 =	simm.s32 $0x50  }
0xe: {  	v0 =	vimm.f32 $1.000000000e+00;
	v1 =	vimm.f32 $0.0e+00;
	s6 =	sadd.s32 $0x1000, s7;
	s7 =	smax.u32 s8, $0x1;
	s8 =	simm.s32 $0x4080  }
.LBB2_1:
0xf: {  	[tilespmem:$0x4000] =	vst v0  }
0x10: {  	[tilespmem:$0x4010] =	vst v0  }
0x11: {  	[tilespmem:$0x4020] =	vst v0  }
0x12: {  	[tilespmem:$0x4030] =	vst v0  }
0x13: {  	[tilespmem:$0x4040] =	vst v0  }
0x14: {  	[tilespmem:$0x4080] =	vst v1  }
0x15: {  	[tilespmem:$0x4090] =	vst v1  }
0x16: {  	[tilespmem:$0x40A0] =	vst v1  }
0x17: {  	[tilespmem:$0x40B0] =	vst v1  }
0x18: {  	[tilespmem:$0x40C0] =	vst v1  }
0x19: {  	[tilespmem:$0x40D0] =	vst v1  }
0x1a: {  	[tilespmem:$0x40E0] =	vst v1  }
0x1b: {  	[tilespmem:$0x40F0] =	vst v1  }
0x1c: {  	[tilespmem:$0x4100] =	vst v1  }
0x1d: {  	[tilespmem:$0x4110] =	vst v1  }
0x1e: {  	[tilespmem:$0x4120] =	vst v1  }
0x1f: {  	[tilespmem:$0x4130] =	vst v1  }
0x20: {  	[tilespmem:$0x4140] =	vst v1  }
0x21: {  	[tilespmem:$0x4150] =	vst v1  }
0x22: {  	[tilespmem:$0x4160] =	vst v1  }
0x23: {  	[tilespmem:$0x4170] =	vst v1  }
0x24: {  	[tilespmem:$0x4180] =	vst v1  }
0x25: {  	[tilespmem:$0x4190] =	vst v1  }
0x26: {  	[tilespmem:$0x41A0] =	vst v1  }
0x27: {  	[tilespmem:$0x41B0] =	vst v1  }
0x28: {  	[tilespmem:$0x41C0] =	vst v1  }
0x29: {  	[tilespmem:$0x41D0] =	vst v1  }
0x2a: {  	[tilespmem:$0x41E0] =	vst v1  }
0x2b: {  	[tilespmem:$0x41F0] =	vst v1  }
0x2c: {  	[tilespmem:$0x4200] =	vst v1  }
0x2d: {  	[tilespmem:$0x4210] =	vst v1  }
0x2e: {  	[tilespmem:$0x4220] =	vst v1  }
0x2f: {  	[tilespmem:$0x4230] =	vst v1  }
0x30: {  	[tilespmem:$0x4240] =	vst v1  }
0x31: {  	[tilespmem:$0x4250] =	vst v1  }
0x32: {  	[tilespmem:$0x4260] =	vst v1  }
0x33: {  	[tilespmem:$0x4270] =	vst v1  }
0x34: {  	[tilespmem:$0x4280] =	vst v1  }
0x35: {  	[tilespmem:$0x4290] =	vst v1  }
0x36: {  	[tilespmem:$0x42A0] =	vst v1  }
0x37: {  	[tilespmem:$0x42B0] =	vst v1  }
0x38: {  	[tilespmem:$0x42C0] =	vst v1  }
0x39: {  	[tilespmem:$0x42D0] =	vst v1  }
0x3a: {  	[tilespmem:$0x42E0] =	vst v1  }
0x3b: {  	[tilespmem:$0x42F0] =	vst v1  }
0x3c: {  	[spmem:s4] =	stream.linear.scatter [tilespmem:s8], [sflag:$0x1], $0x280, $0x38;
	[tilespmem:$0x4580] =	vst v63  }
0x3d: {  	_ =	swait.ge [sflag:s9], $0x280  }
0x3e: {  	[sflag:s9] =	ssyncset.done $0x0  }
0x3f: {  	[sflag:s9] =	ssyncadd.s32 $0xFFFFFD80  }
0x40: {  	[bflag:$0x0] =	sbarrier.arrive $0xFFFF  }
0x41: {  	[tilespmem:s3], [sflag:$0x1] =	stream.linear.gather [hbm4b:s5+s3], $0x3E80, $0x38;
	[tilespmem:$0x4580] =	vst v63  }
0x42: {  	_ =	swait.ge [sflag:s9], $0x3E80  }
0x43: {  	[sflag:s9] =	ssyncset.done $0x0  }
0x44: {  	s15 =	simm.s32 $0x0;
	[sflag:s9] =	ssyncadd.s32 $0xFFFFC180  }
0x45: {  	[spmem:s2] =	stream.indirect.scatter.add.f32 [tilespmem:s11], [sflag:$0x1], $0x1, s15, s10, $0xb8;
	[tilespmem:$0x4580] =	vst v63  }
0x46: {  	_ =	swait.ge [sflag:s9], $0x50  }
0x47: {  	s15 =	simm.s32 $0x200;
	[sflag:s9] =	ssyncset.done $0x0  }
.LBB2_2:
0x48: {  	s16 =	sshra.s32 s15, $0x2;
	[sflag:s9] =	ssyncadd.s32 $0xFFFFFFB0;
	p0 =	sne.s32 s15, $0xF800  }
0x49: {  	[spmem:s2] =	stream.indirect.scatter.add.f32 [tilespmem:s11], [sflag:$0x1], $0x1, s16, s10, $0xb8;
	[tilespmem:$0x4580] =	vst v63  }
.Ltmp0:
0x4a: {  	_ = 	snop;
	(pc) =	sbr.rel @p0 .LBB2_2-.Ltmp0, $4  }
0x4b: {  	_ = 	snop  }
0x4c: {  	s15 =	sadd.s32 $0x200, s15  }
0x4d: {  	_ =	swait.ge [sflag:s9], $0x50  }
0x4e: {  	[sflag:s9] =	ssyncset.done $0x0  }
0x4f: {  	[sflag:s9] =	ssyncadd.s32 $0xFFFFFFB0  }
0x50: {  	[bflag:$0x0] =	sbarrier.arrive $0xFFFF  }
0x51: {  	[tilespmem:s8], [sflag:$0x1] =	stream.linear.gather [spmem:s4], $0x280, $0x38;
	[tilespmem:$0x4580] =	vst v63  }
0x52: {  	s14 =	sadd.s32 $0x1, s14;
	_ =	swait.ge [sflag:s9], $0x280  }
0x53: {  	p0 =	sne.s32 s14, s7;
	[sflag:s9] =	ssyncset.done $0x0  }
.Ltmp1:
0x54: {  	[sflag:s9] =	ssyncadd.s32 $0xFFFFFD80;
	(pc) =	sbr.rel @p0 .LBB2_1-.Ltmp1, $4  }
0x55: {  	[hbm4b:s6+s12] =	stream.strided.scatter [tilespmem:s8], [sflag:$0x1], $0x280, s13, s12, $0x38;
	[tilespmem:$0x4580] =	vst v63  }
0x56: {  	_ =	swait.ge [sflag:s9], $0x280  }
0x57: {  	[sflag:s9] =	ssyncset.done $0x0  }
0x58: {  	[sflag:s9] =	ssyncadd.s32 $0xFFFFFD80  }
0x59: {  	_ =	sfence.sel $0x180000  }
0x5a: {  	[bflag:$0x0] =	sbarrier.arrive $0xFFFF  }
0x5b: {  	p0 =	sne.s32 s1, $0x0;
	_ =	strace $0x90000047  }
0x5c: {  	s0 =	sadd.s32 @!p0 $0x100000, s0;
	[bflag:$0x2] =	sbarrier.arrive $0xFFFF  }
0x5d: {  	[sflag:s0] =	ssyncadd.tile.s32 @!p0 $0x1;
	_ =	shalt  }
.Lfunc_end2:
_tile_overlayer_lowered:
.L_overlay_start_2:
0x5e: {  	(tag) =	ssettag $0x2  }
0x5f: {  	s0 =	rddreg [dreg:$0x0];
	s2 =	stileid.u32  }
0x60: {  	s1 =	rddreg [dreg:$0x1];
	p0 =	sne.s32 s2, $0x0  }
0x61: {  	s3 =	rddreg [dreg:$0x2];
	[bflag:$0x3] =	sbarrier.arrive $0xFFFF;
	s2 =	simm.s32 @!p0 $0x1C01  }
0x62: {  	[timem:s3], [sflag:s2] =	dma.local @!p0 [hbm:s0], s1  }
0x63: {  	s0 =	simm.s32 @!p0 $0x1  }
0x64: {  	_ =	swait.ge @!p0 [sflag:s0], s1  }
0x65: {  	s1 =	ssub.s32 @!p0 $0x0, s1;
	[sflag:s0] =	ssyncset.done @!p0 $0x0  }
0x66: {  	[sflag:s0] =	ssyncadd.s32 @!p0 s1  }
0x67: {  	[bflag:$0x3] =	sbarrier.arrive $0xFFFF  }
0x68: {  	_ =	shalt  }

// kernel: kernel.9.cloned.1.call-start
scs
__scs_entry_jumppad:
0x0: {  	(pc) =	sbr.rel $0x88, $3  }
0x1: {  	(tag) =	ssettag $0x0;
	lr =	simm.s32 $0x1  }
0x2: {  	[smem:$0x3F9B] =	sst lr;
	_ =	strace $0xD0000000  }
0x3: {  	_ = 	snop  }
0x4: {  	_ = 	snop  }
0x5: {  	_ = 	snop  }
0x6: {  	_ = 	snop  }
0x7: {  	_ = 	snop  }
__scs_overlays_trampoline_lowered:
0x8: {  	[smem:$0x3FAA] =	sst s0  }
0x9: {  	[smem:$0x3FAB] =	sst s1  }
0xa: {  	[smem:$0x3FAC] =	sst s2  }
0xb: {  	[smem:$0x3FAD] =	sst s3  }
0xc: {  	[smem:$0x3FAE] =	sst s4  }
0xd: {  	[smem:$0x3FAF] =	sst s5  }
0xe: {  	[smem:$0x3FB0] =	sst s6  }
0xf: {  	[smem:$0x3FB1] =	sst s7  }
0x10: {  	[smem:$0x3FB2] =	sst s8  }
0x11: {  	[smem:$0x3FB3] =	sst s9;
	s0 =	simm.s32 @!p0 $0x0  }
0x12: {  	s1 =	sld [smem:$0x3F99];
	s0 =	simm.s32 @p0 $0x1  }
0x13: {  	[smem:$0x3FB4] =	sst s0;
	s0 =	simm.s32 @!p1 $0x0  }
0x14: {  	s2 =	sld [smem:$0x3F98];
	s0 =	simm.s32 @p1 $0x1  }
0x15: {  	[smem:$0x3FB5] =	sst s0;
	s0 =	simm.s32 @!p2 $0x0  }
0x16: {  	s3 =	sld [smem:$0x3FDB];
	s0 =	simm.s32 @p2 $0x1  }
0x17: {  	s4 =	simm.s32 $0x1BF5;
	[smem:$0x3FB7] =	sst s0  }
0x18: {  	s0 =	sld [smem:$0x3F9A];
	_ =	swait.ge [sflag:s4], $0x0  }
0x19: {  	s7 =	sld [smem:$0x3F9B]  }
0x1a: {  	s8 =	sadd.s32 $0xFFFFE003, lr  }
0x1b: {  	s9 =	sadd.s32 $0xFFFFFEF7, lr;
	s5 =	simm.s32 $0xFFFFFFFF;
	p2 =	slt.u32 s8, $0xFFFFF086  }
0x1c: {  	p1 =	slt.u32 s9, $0xF7A;
	s5 =	simm.s32 @!p2 $0x0  }
0x1d: {  	s5 =	simm.s32 @p1 $0x1;
	p0 =	seq.s32 s7, s2  }
0x1e: {  	s7 =	smul.u32 @!p0 $0xF7A, s2;
	p2 =	seq.s32 @!p0 s5, $0x0  }
0x1f: {  	s9 =	smul.u32 $0xF7A, s1;
	s8 =	simm.s32 @!p0 $0x1BF5;
	p2 =	por !p2, p0  }
0x20: {  	[sflag:s8] =	ssyncset.s32 @!p0 $0xFFFFF086;
	s6 =	sadd.s32 @!p0 s3, s7;
	s7 =	simm.s32 @!p0 $0x108  }
0x21: {  	s3 =	sadd.s32 s3, s9;
	s6 =	sadd.s32 @!p0 $0x88, s6;
	s7 =	simm.s32 @p2 $0x1082  }
0x22: {  	[simem:s7], [sflag:s8] =	dma.local @!p0 [hbm:s6], $0xF7A  }
0x23: {  	s9 =	sor.u32 $0xD0000000, s2;
	s6 =	simm.s32 $0x108;
	_ =	swait.ge @!p0 [sflag:s8], $0x0  }
0x24: {  	s3 =	sadd.s32 $0x88, s3;
	s6 =	simm.s32 @!p1 $0x1082;
	[sflag:s4] =	ssyncset.s32 $0xFFFFF086  }
0x25: {  	[simem:s6], [sflag:s4] =	dma.local [hbm:s3], $0xF7A  }
0x26: {  	[smem:$0x3F9B] =	sst s1;
	(tag) =	ssettag s2;
	_ =	strace s9  }
0x27: {  	s1 =	sld [smem:$0x3FAB]  }
0x28: {  	s2 =	sld [smem:$0x3FAC]  }
0x29: {  	s4 =	sld [smem:$0x3FAE]  }
0x2a: {  	p0 =	seq.s32 s5, $0x0;
	s5 =	sld [smem:$0x3FAF]  }
0x2b: {  	s6 =	sld [smem:$0x3FB0]  }
0x2c: {  	s7 =	sld [smem:$0x3FB1]  }
0x2d: {  	s3 =	simm.s32 $0x108;
	s8 =	sld [smem:$0x3FB2]  }
0x2e: {  	s3 =	simm.s32 @!p0 $0x1082;
	s9 =	sld [smem:$0x3FB3]  }
0x2f: {  	lr =	sadd.s32 s0, s3;
	s0 =	sld [smem:$0x3FAA]  }
0x30: {  	s3 =	sld [smem:$0x3FAD]  }
0x31: {  	[smem:$0x3FB6] =	sst s10  }
0x32: {  	s10 =	sld [smem:$0x3FB4];
	_ =	sdelay $0x3  }
0x33: {  	p0 =	seq.s32 s10, $0x1;
	s10 =	sld [smem:$0x3FB6];
	_ =	sdelay $0x3  }
0x34: {  	[smem:$0x3FB6] =	sst s10  }
0x35: {  	s10 =	sld [smem:$0x3FB5];
	_ =	sdelay $0x3  }
0x36: {  	p1 =	seq.s32 s10, $0x1;
	s10 =	sld [smem:$0x3FB6];
	_ =	sdelay $0x3  }
0x37: {  	[smem:$0x3FB6] =	sst s10  }
0x38: {  	s10 =	sld [smem:$0x3FB7]  }
0x39: {  	_ = 	snop;
	(pc) =	sbr.ind lr, $3  }
0x3a: {  	_ = 	snop  }
0x3b: {  	_ = 	snop  }
0x3c: {  	p2 =	seq.s32 s10, $0x1;
	s10 =	sld [smem:$0x3FB6]  }
0x3d: {  	_ =	shalt  }
0x3e: {  	_ =	shalt  }
0x3f: {  	_ =	shalt  }
0x40: {  	_ =	shalt  }
0x41: {  	_ =	shalt  }
0x42: {  	_ =	shalt  }
0x43: {  	_ =	shalt  }
0x44: {  	_ =	shalt  }
0x45: {  	_ =	shalt  }
0x46: {  	_ =	shalt  }
0x47: {  	_ =	shalt  }
0x48: {  	_ =	shalt  }
0x49: {  	_ =	shalt  }
0x4a: {  	_ =	shalt  }
0x4b: {  	_ =	shalt  }
0x4c: {  	_ =	shalt  }
0x4d: {  	_ =	shalt  }
0x4e: {  	_ =	shalt  }
0x4f: {  	_ =	shalt  }
0x50: {  	_ =	shalt  }
0x51: {  	_ =	shalt  }
0x52: {  	_ =	shalt  }
0x53: {  	_ =	shalt  }
0x54: {  	_ =	shalt  }
0x55: {  	_ =	shalt  }
0x56: {  	_ =	shalt  }
0x57: {  	_ =	shalt  }
0x58: {  	_ =	shalt  }
0x59: {  	_ =	shalt  }
0x5a: {  	_ =	shalt  }
0x5b: {  	_ =	shalt  }
0x5c: {  	_ =	shalt  }
0x5d: {  	_ =	shalt  }
0x5e: {  	_ =	shalt  }
0x5f: {  	_ =	shalt  }
0x60: {  	_ =	shalt  }
0x61: {  	_ =	shalt  }
0x62: {  	_ =	shalt  }
0x63: {  	_ =	shalt  }
0x64: {  	_ =	shalt  }
0x65: {  	_ =	shalt  }
0x66: {  	_ =	shalt  }
0x67: {  	_ =	shalt  }
0x68: {  	_ =	shalt  }
0x69: {  	_ =	shalt  }
0x6a: {  	_ =	shalt  }
0x6b: {  	_ =	shalt  }
0x6c: {  	_ =	shalt  }
0x6d: {  	_ =	shalt  }
0x6e: {  	_ =	shalt  }
0x6f: {  	_ =	shalt  }
0x70: {  	_ =	shalt  }
0x71: {  	_ =	shalt  }
0x72: {  	_ =	shalt  }
0x73: {  	_ =	shalt  }
0x74: {  	_ =	shalt  }
0x75: {  	_ =	shalt  }
0x76: {  	_ =	shalt  }
0x77: {  	_ =	shalt  }
0x78: {  	_ =	shalt  }
0x79: {  	_ =	shalt  }
0x7a: {  	_ =	shalt  }
0x7b: {  	_ =	shalt  }
0x7c: {  	_ =	shalt  }
0x7d: {  	_ =	shalt  }
0x7e: {  	_ =	shalt  }
0x7f: {  	_ =	shalt  }
0x80: {  	_ =	shalt  }
0x81: {  	_ =	shalt  }
0x82: {  	_ =	shalt  }
0x83: {  	_ =	shalt  }
0x84: {  	_ =	shalt  }
0x85: {  	_ =	shalt  }
0x86: {  	_ =	shalt  }
0x87: {  	_ =	shalt  }
.Lfunc_end0:
.L_simem_size_0:
called_computation.1_lowered:
.L_overlay_start_0:
0x88: {  	s2 =	sld [smem:$0x3FD9]  }
0x89: {  	s3 =	sld [smem:$0x3FFE];
	_ =	sdelay $0x1  }
0x8a: {  	s1 =	srdreg.scid  }
0x8b: {  	s0 =	sand.u32 $0x1, s1  }
0x8c: {  	s17 =	sshll.u32 s0, $0xA;
	s2 =	sadd.s32 s3, s2  }
0x8d: {  	s2 =	sadd.s32 s2, s17  }
0x8e: {  	[smem:$0x3FC2] =	sst s2  }
0x8f: {  	_ = 	snop  }
0x90: {  	s2 =	sld [smem:$0x3FD0];
	(tm) =	ssettm $0x1  }
0x91: {  	s18 =	sld [smem:$0x3FFB];
	_ =	sdelay $0x3  }
0x92: {  	_ =	strace s18  }
0x93: {  	s3 =	sld [smem:$0x3FFC];
	_ =	sdelay $0x3  }
0x94: {  	_ =	strace s3  }
0x95: {  	s3 =	sld [smem:$0x3FFD];
	_ =	sdelay $0x3  }
0x96: {  	_ =	strace s3  }
0x97: {  	_ =	strace $0x8FFFFFFF  }
0x98: {  	s19 =	sld [smem:$0x3FDB];
	_ =	sdelay $0x1  }
0x99: {  	s4 =	simm.s32 $_scs_section_size  }
0x9a: {  	s5 =	simm.s32 $_size__tile_overlayer_lowered;
	s6 =	simm.s32 $_tile_overlayer_lowered  }
0x9b: {  	s22 =	simm.s32 $0x1BFF;
	s21 =	sshll.u32 s6, $0x1;
	s3 =	sadd.s32 s4, s19  }
0x9c: {  	s7 =	simm.s32 $0x0;
	s20 =	sshll.u32 s5, $0x1;
	s5 =	sadd.s32 s21, s3  }
0x9d: {  	[timem:s7], [sflag:s22] =	dma.local [hbm:s5], s20  }
0x9e: {  	_ =	swait.ge [sflag:s22], s20  }
0x9f: {  	s4 =	ssub.s32 $0x0, s20;
	[sflag:s22] =	ssyncset.done $0x0  }
0xa0: {  	[sflag:s22] =	ssyncadd.s32 s4;
	_ =	sdelay $0x1  }
0xa1: {  	s23 =	simm.s32 $0x1B8B  }
0xa2: {  	_ =	swait.ge [sflag:s23], $0x1  }
0xa3: {  	[sflag:s23] =	ssyncset.done $0x0  }
0xa4: {  	s25 =	simm.s32 $0x1B8E;
	s24 =	sld [smem:$0x3FFE];
	[sflag:s23] =	ssyncadd.s32 $0xFFFFFFFF  }
0xa5: {  	s26 =	simm.s32 $execute0_lowered;
	[smem:$0x3FD2] =	sst s25  }
0xa6: {  	s5 =	sshll.u32 s26, $0x1;
	_ =	strace $0x80000049;
	[dreg:$0x1] =	wrdreg $0xFFFFFFFF  }
0xa7: {  	s28 =	simm.s32 $_size_execute0_lowered;
	s3 =	sadd.s32 s3, s5;
	[dreg:$0x0] =	wrdreg $0x0  }
0xa8: {  	s5 =	sshll.u32 s28, $0x1;
	[dreg:$0x2] =	wrdreg s3  }
0xa9: {  	[dreg:$0x3] =	wrdreg s5  }
0xaa: {  	[dreg:$0x4] =	wrdreg $0xC0  }
0xab: {  	_ =	task [dreg:s7], $0x5FFFF  }
0xac: {  	[dreg:$0x1] =	wrdreg $0xFFFFFFFF  }
0xad: {  	[dreg:$0x0] =	wrdreg $0x60  }
0xae: {  	[dreg:$0x2] =	wrdreg s2  }
0xaf: {  	[dreg:$0x3] =	wrdreg s24  }
0xb0: {  	[dreg:$0x4] =	wrdreg $0xB8000  }
0xb1: {  	[dreg:$0x5] =	wrdreg $0x9  }
0xb2: {  	_ =	task.clear_ibuf [dreg:s7], $0x6FFFF;
	_ =	strace $0x90000049  }
0xb3: {  	s29 =	simm.s32 $0x9;
	_ =	strace $0x8000004B  }
0xb4: {  	_ =	swait.ge [sflag:s29], $0x1  }
0xb5: {  	[sflag:s29] =	ssyncadd.s32 $0xFFFFFFFF  }
0xb6: {  	_ =	strace $0x9000004B  }
0xb7: {  	_ =	sfence  }
0xb8: {  	s30 =	sld [smem:$0x0];
	_ =	sdelay $0x2  }
0xb9: {  	s31 =	sshll.u32 s1, $0xD;
	s1 =	sshrl.u32 s1, $0x2  }
0xba: {  	s3 =	sand.u32 $0x4000, s31;
	s1 =	sadd.s32 s1, s30  }
0xbb: {  	s0 =	sor.u32 s3, s0;
	s1 =	sshll.u32 s1, $0x11  }
0xbc: {  	s0 =	sor.u32 s1, s0  }
0xbd: {  	s0 =	sadd.s32 $0x8F2B, s0  }
0xbe: {  	[sflag:s0] =	ssyncadd.remote.s32 $0x1  }
0xbf: {  	_ =	sfence.sel $0xFFFF  }
0xc0: {  	[dreg:$0x0] =	wrdreg $0xFFFFFFFF;
	(pc) =	sbr.abs _section_cstart, $3  }
0xc1: {  	[dreg:$0x1] =	wrdreg $0xFFFFFFFF  }
0xc2: {  	_ =	task.clear_ibuf [dreg:s7], $0x2FFFF;
	_ =	strace $0x9FFFFFFF  }
0xc3: {  	(tm) =	ssettm $0x7FFFFFFF  }
tec
execute0_lowered:
.L_overlay_start_1:
0x0: {  	(tag) =	ssettag $0x1  }
0x1: {  	s1 =	rddreg [dreg:$0x0]  }
0x2: {  	s0 =	srdreg.scid;
	s2 =	rddreg [dreg:$0x1]  }
0x3: {  	s13 =	stileid.u32;
	s3 =	rddreg [dreg:$0x2];
	s28 =	simm.s32 $0x3  }
0x4: {  	s0 =	sand.u32 $0x1, s0;
	s4 =	sshll.u32 s13, $0x1;
	s9 =	smul.u32 $0x50000, s13  }
0x5: {  	s29 =	simm.s32 $0x40;
	s13 =	smul.u32 $0x14000, s13;
	s5 =	sor.u32 s0, s4  }
0x6: {  	s25 =	ssub.s32 $0x2, s0;
	p0 =	seq.s32 s0, $0x0;
	s0 =	smul.u32 $0x140000, s0  }
0x7: {  	s31 =	simm.s32 $0x9800;
	s4 =	simm.s32 $0x0;
	s6 =	smul.u32 $0x500, s5  }
0x8: {  	s30 =	simm.s32 $0x2;
	[smem:$0x7FF] =	sst s4;
	s7 =	smul.u32 $0xA00, s5  }
0x9: {  	s24 =	sshll.u32 s5, $0x8;
	s5 =	sshll.u32 s5, $0x9;
	s26 =	sshrl.u32 s25, $0x1  }
0xa: {  	s9 =	sshrl.u32 s9, $0x2;
	s17 =	sadd.s32 $0x4000, s13;
	_ =	strace $0x8000004A  }
0xb: {  	s10 =	sadd.s32 s24, s2;
	s11 =	sadd.s32 s5, s2;
	s12 =	ssub.s32 s25, s26  }
0xc: {  	s5 =	sadd.s32 s9, s3;
	s19 =	sadd.s32 s0, s13;
	s20 =	sadd.s32 s0, s17  }
0xd: {  	s24 =	sadd.s32 $0x8000, s13;
	s25 =	sadd.s32 $0xC000, s13;
	s6 =	sadd.s32 s6, s2  }
0xe: {  	s8 =	sadd.s32 s7, s2;
	s2 =	sadd.s32 $0x25A00, s2;
	s14 =	sadd.s32 $0x1A00, s10  }
0xf: {  	s7 =	simm.s32 $0x83;
	s15 =	sadd.s32 $0x21A00, s11;
	[dreg:$0x6] =	wrdreg s14  }
0x10: {  	s16 =	smax.u32 s12, $0x1;
	s18 =	sadd.s32 $0x4000, s5;
	[dreg:$0x7] =	wrdreg s15  }
0x11: {  	s21 =	sadd.s32 $0x8000, s5;
	s10 =	sshrl.u32 s19, $0x3;
	[dreg:$0x8] =	wrdreg s16  }
0x12: {  	s11 =	sshrl.u32 s20, $0x3;
	s22 =	sadd.s32 $0xC000, s5;
	[dreg:$0x9] =	wrdreg s18  }
0x13: {  	s26 =	sadd.s32 s0, s24;
	s6 =	sadd.s32 $0x3A00, s6;
	[dreg:$0xa] =	wrdreg s21  }
0x14: {  	s9 =	sadd.s32 $0xDA00, s8;
	s7 =	simm.s32 @!p0 $0x9D;
	[dreg:$0xb] =	wrdreg s22  }
0x15: {  	s10 =	sadd.s32 s2, s10;
	s23 =	sadd.s32 s2, s11;
	[dreg:$0x4] =	wrdreg s6  }
0x16: {  	s18 =	sadd.s32 s0, s25;
	s12 =	sshrl.u32 s26, $0x3;
	[dreg:$0x5] =	wrdreg s9  }
0x17: {  	s21 =	sadd.s32 $0x10000, s5;
	s22 =	sadd.s32 s17, s3;
	[dreg:$0xc] =	wrdreg s10  }
0x18: {  	s26 =	simm.s32 $0x7800;
	s9 =	sadd.s32 $0x1, s7;
	[dreg:$0xd] =	wrdreg s23  }
.Ltmp0:
0x19: {  	s6 =	sadd.s32 $0x10000, s13;
	s19 =	sshrl.u32 s18, $0x3;
	(pc) =	sbr.rel .LBB2_1-.Ltmp0, $4  }
0x1a: {  	s12 =	sadd.s32 s2, s12;
	s23 =	sadd.s32 s24, s3;
	s24 =	sadd.s32 s25, s3  }
0x1b: {  	s10 =	simm.s32 $0x0;
	s0 =	sadd.s32 s0, s6;
	[dreg:$0xe] =	wrdreg s12  }
0x1c: {  	s19 =	sadd.s32 s2, s19;
	s25 =	sadd.s32 s6, s3;
	s0 =	sshrl.u32 s0, $0x3  }
0x1d: {  	v0 =	vimm.f32 $0.0e+00;
	s20 =	sadd.s32 s2, s0;
	s2 =	simm.s32 $0x1;
	s0 =	simm.s32 $0x4  }
.LBB2_10:
0x1e: {  	s11 =	sadd.s32 $0xFFFFFFC0, s6;
	[sflag:s28] =	ssyncadd.s32 $0xFFFFE000  }
0x1f: {  	[tilespmem:s31], [sflag:$0x2] =	stream.indirect.gather [hbm4b:s1+s29], $0x80, s11, s29, $0xb8;
	[tilespmem:$0x1F800] =	vst v63  }
0x20: {  	_ =	swait.ge [sflag:s2], $0x2000  }
0x21: {  	s8 =	sshra.s32 s8, $0x2;
	[sflag:s2] =	ssyncset.done $0x0  }
0x22: {  	s16 =	sadd.s32 $0x2800, s8;
	[sflag:s2] =	ssyncadd.s32 $0xFFFFE000  }
0x23: {  	[spmem:s3] =	stream.indirect.scatter.add.f32 [tilespmem:s26], [sflag:$0x4], $0x80, s16, s29, $0xb8;
	[tilespmem:$0x1F800] =	vst v63  }
0x24: {  	_ =	swait.ge [sflag:s0], $0x2000  }
0x25: {  	[sflag:s0] =	ssyncset.done $0x0  }
0x26: {  	[sflag:s0] =	ssyncadd.s32 $0xFFFFE000  }
0x27: {  	[tilespmem:s26], [sflag:$0x1] =	stream.indirect.gather [hbm4b:s1+s29], $0x80, s6, s29, $0xb8;
	[tilespmem:$0x1F800] =	vst v63  }
0x28: {  	_ =	swait.ge [sflag:s30], $0x2000  }
0x29: {  	[sflag:s30] =	ssyncset.done $0x0  }
0x2a: {  	s17 =	sadd.s32 $0x2880, s8;
	[sflag:s30] =	ssyncadd.s32 $0xFFFFE000  }
0x2b: {  	[spmem:s3] =	stream.indirect.scatter.add.f32 [tilespmem:s31], [sflag:$0x3], $0x80, s17, s29, $0xb8;
	[tilespmem:$0x1F800] =	vst v63  }
0x2c: {  	_ =	swait.ge [sflag:s28], $0x2000  }
0x2d: {  	[sflag:s28] =	ssyncset.done $0x0  }
0x2e: {  	[sflag:s28] =	ssyncadd.s32 $0xFFFFE000  }
0x2f: {  	_ =	swait.ge [sflag:s2], $0x2000  }
0x30: {  	[sflag:s2] =	ssyncset.done $0x0  }
0x31: {  	s18 =	simm.s32 $0x3400;
	[sflag:s2] =	ssyncadd.s32 $0xFFFFE000  }
0x32: {  	[spmem:s3] =	stream.indirect.scatter.add.f32 [tilespmem:s26], [sflag:$0x4], $0x80, s18, s29, $0xb8;
	[tilespmem:$0x1F800] =	vst v63  }
0x33: {  	_ =	swait.ge [sflag:s0], $0x2000  }
0x34: {  	[sflag:s0] =	ssyncset.done $0x0  }
0x35: {  	[sflag:s0] =	ssyncadd.s32 $0xFFFFE000  }
.LBB2_11:
0x36: {  	[bflag:$0x0] =	sbarrier.arrive $0xFFFF  }
0x37: {  	[tilespmem:s26], [sflag:$0x3] =	stream.linear.gather [spmem:s5], $0x4000, $0x38;
	[tilespmem:$0x1F800] =	vst v63  }
0x38: {  	_ =	swait.ge [sflag:s28], $0x4000  }
0x39: {  	[sflag:s28] =	ssyncset.done $0x0  }
0x3a: {  	s6 =	rddreg [dreg:$0xc];
	[sflag:s28] =	ssyncadd.s32 $0xFFFFC000  }
0x3b: {  	[hbm4b:s6+s4] =	stream.linear.scatter [tilespmem:s26], [sflag:$0x3], $0x4000, $0x38;
	[tilespmem:$0x1F800] =	vst v63  }
0x3c: {  	_ =	swait.ge [sflag:s28], $0x4000  }
0x3d: {  	[sflag:s28] =	ssyncset.done $0x0  }
0x3e: {  	[sflag:s28] =	ssyncadd.s32 $0xFFFFC000  }
0x3f: {  	[tilespmem:s26], [sflag:$0x3] =	stream.linear.gather [spmem:s22], $0x4000, $0x38;
	[tilespmem:$0x1F800] =	vst v63  }
0x40: {  	_ =	swait.ge [sflag:s28], $0x4000  }
0x41: {  	[sflag:s28] =	ssyncset.done $0x0  }
0x42: {  	s16 =	rddreg [dreg:$0xd];
	[sflag:s28] =	ssyncadd.s32 $0xFFFFC000  }
0x43: {  	[hbm4b:s16+s4] =	stream.linear.scatter [tilespmem:s26], [sflag:$0x3], $0x4000, $0x38;
	[tilespmem:$0x1F800] =	vst v63  }
0x44: {  	_ =	swait.ge [sflag:s28], $0x4000  }
0x45: {  	[sflag:s28] =	ssyncset.done $0x0  }
0x46: {  	[sflag:s28] =	ssyncadd.s32 $0xFFFFC000  }
0x47: {  	[tilespmem:s26], [sflag:$0x3] =	stream.linear.gather [spmem:s23], $0x4000, $0x38;
	[tilespmem:$0x1F800] =	vst v63  }
0x48: {  	_ =	swait.ge [sflag:s28], $0x4000  }
0x49: {  	[sflag:s28] =	ssyncset.done $0x0  }
0x4a: {  	s17 =	rddreg [dreg:$0xe];
	[sflag:s28] =	ssyncadd.s32 $0xFFFFC000  }
0x4b: {  	[hbm4b:s17+s4] =	stream.linear.scatter [tilespmem:s26], [sflag:$0x3], $0x4000, $0x38;
	[tilespmem:$0x1F800] =	vst v63  }
0x4c: {  	_ =	swait.ge [sflag:s28], $0x4000  }
0x4d: {  	[sflag:s28] =	ssyncset.done $0x0  }
0x4e: {  	[sflag:s28] =	ssyncadd.s32 $0xFFFFC000  }
0x4f: {  	[tilespmem:s26], [sflag:$0x3] =	stream.linear.gather [spmem:s24], $0x4000, $0x38;
	[tilespmem:$0x1F800] =	vst v63  }
0x50: {  	_ =	swait.ge [sflag:s28], $0x4000  }
0x51: {  	[sflag:s28] =	ssyncset.done $0x0  }
0x52: {  	[sflag:s28] =	ssyncadd.s32 $0xFFFFC000  }
0x53: {  	[hbm4b:s19+s4] =	stream.linear.scatter [tilespmem:s26], [sflag:$0x3], $0x4000, $0x38;
	[tilespmem:$0x1F800] =	vst v63  }
0x54: {  	_ =	swait.ge [sflag:s28], $0x4000  }
0x55: {  	[sflag:s28] =	ssyncset.done $0x0  }
0x56: {  	[sflag:s28] =	ssyncadd.s32 $0xFFFFC000  }
0x57: {  	[tilespmem:s26], [sflag:$0x3] =	stream.linear.gather [spmem:s25], $0x4000, $0x38;
	[tilespmem:$0x1F800] =	vst v63  }
0x58: {  	_ =	swait.ge [sflag:s28], $0x4000  }
0x59: {  	[sflag:s28] =	ssyncset.done $0x0  }
0x5a: {  	[sflag:s28] =	ssyncadd.s32 $0xFFFFC000  }
0x5b: {  	[hbm4b:s20+s4] =	stream.linear.scatter [tilespmem:s26], [sflag:$0x3], $0x4000, $0x38;
	[tilespmem:$0x1F800] =	vst v63  }
0x5c: {  	_ =	swait.ge [sflag:s28], $0x4000  }
0x5d: {  	s10 =	sadd.s32 $0x1, s10;
	s18 =	rddreg [dreg:$0x8]  }
0x5e: {  	p1 =	sne.s32 s10, s18  }
.Ltmp1:
0x5f: {  	_ = 	snop;
	(pc) =	sbr.rel @!p1 .LBB2_12-.Ltmp1, $3  }
0x60: {  	_ =	sdelay $0x1  }
0x61: {  	[sflag:s28] =	ssyncset.done $0x0  }
0x62: {  	[sflag:s28] =	ssyncadd.s32 $0xFFFFC000  }
.LBB2_1:
0x63: {  	s6 =	simm.s32 $0x0;
	s8 =	simm.s32 $0x200  }
.LBB2_2:
0x64: {  	p1 =	sne.s32 s8, $0xFE00;
	[tilespmem:s6+$0x7870] =	vst v0  }
0x65: {  	[tilespmem:s6+$0x7800] =	vst v0  }
0x66: {  	[tilespmem:s6+$0x7810] =	vst v0  }
.Ltmp2:
0x67: {  	[tilespmem:s6+$0x7820] =	vst v0;
	(pc) =	sbr.rel @p1 .LBB2_2-.Ltmp2, $4  }
0x68: {  	[tilespmem:s6+$0x7830] =	vst v0  }
0x69: {  	[tilespmem:s6+$0x7840] =	vst v0  }
0x6a: {  	[tilespmem:s6+$0x7850] =	vst v0  }
0x6b: {  	[tilespmem:s6+$0x7860] =	vst v0;
	s6 =	sshra.s32 s8, $0x2;
	s8 =	sadd.s32 $0x200, s8  }
0x6c: {  	[tilespmem:s6+$0x7870] =	vst v0  }
0x6d: {  	[tilespmem:s6+$0x7800] =	vst v0  }
0x6e: {  	[tilespmem:s6+$0x7810] =	vst v0  }
0x6f: {  	[tilespmem:s6+$0x7820] =	vst v0  }
0x70: {  	[tilespmem:s6+$0x7830] =	vst v0  }
0x71: {  	[tilespmem:s6+$0x7840] =	vst v0  }
0x72: {  	[tilespmem:s6+$0x7850] =	vst v0  }
0x73: {  	[tilespmem:s6+$0x7860] =	vst v0  }
0x74: {  	[spmem:s5] =	stream.linear.scatter [tilespmem:s26], [sflag:$0x3], $0x4000, $0x38;
	[tilespmem:$0x1F800] =	vst v63  }
0x75: {  	_ =	swait.ge [sflag:s28], $0x4000  }
0x76: {  	[sflag:s28] =	ssyncset.done $0x0  }
0x77: {  	s14 =	rddreg [dreg:$0x9];
	[sflag:s28] =	ssyncadd.s32 $0xFFFFC000  }
0x78: {  	[spmem:s14] =	stream.linear.scatter [tilespmem:s26], [sflag:$0x3], $0x4000, $0x38;
	[tilespmem:$0x1F800] =	vst v63  }
0x79: {  	_ =	swait.ge [sflag:s28], $0x4000  }
0x7a: {  	[sflag:s28] =	ssyncset.done $0x0  }
0x7b: {  	s15 =	rddreg [dreg:$0xa];
	[sflag:s28] =	ssyncadd.s32 $0xFFFFC000  }
0x7c: {  	[spmem:s15] =	stream.linear.scatter [tilespmem:s26], [sflag:$0x3], $0x4000, $0x38;
	[tilespmem:$0x1F800] =	vst v63  }
0x7d: {  	_ =	swait.ge [sflag:s28], $0x4000  }
0x7e: {  	[sflag:s28] =	ssyncset.done $0x0  }
0x7f: {  	s16 =	rddreg [dreg:$0xb];
	[sflag:s28] =	ssyncadd.s32 $0xFFFFC000  }
0x80: {  	[spmem:s16] =	stream.linear.scatter [tilespmem:s26], [sflag:$0x3], $0x4000, $0x38;
	[tilespmem:$0x1F800] =	vst v63  }
0x81: {  	_ =	swait.ge [sflag:s28], $0x4000  }
0x82: {  	[sflag:s28] =	ssyncset.done $0x0  }
0x83: {  	[sflag:s28] =	ssyncadd.s32 $0xFFFFC000  }
0x84: {  	[spmem:s21] =	stream.linear.scatter [tilespmem:s26], [sflag:$0x3], $0x4000, $0x38;
	[tilespmem:$0x1F800] =	vst v63  }
0x85: {  	_ =	swait.ge [sflag:s28], $0x4000  }
0x86: {  	[sflag:s28] =	ssyncset.done $0x0  }
0x87: {  	[sflag:s28] =	ssyncadd.s32 $0xFFFFC000  }
0x88: {  	[bflag:$0x0] =	sbarrier.arrive $0xFFFF  }
0x89: {  	s17 =	simm.s32 $0x0;
	s8 =	rddreg [dreg:$0x4]  }
0x8a: {  	[tilespmem:s17], [sflag:$0x3] =	stream.linear.gather [hbm4b:s8+s17], $0x2780, $0x38;
	[tilespmem:$0x1F800] =	vst v63  }
0x8b: {  	_ =	swait.ge [sflag:s28], $0x2780  }
0x8c: {  	s11 =	simm.s32 $0x2800;
	[sflag:s28] =	ssyncset.done $0x0  }
0x8d: {  	p3 =	sne.s32 s9, $0x2;
	s18 =	rddreg [dreg:$0x5];
	[sflag:s28] =	ssyncadd.s32 $0xFFFFD880  }
0x8e: {  	[tilespmem:s11], [sflag:$0x3] =	stream.linear.gather [hbm4b:s18+s17], $0x4E80, $0x38;
	[tilespmem:$0x1F800] =	vst v63  }
.Ltmp3:
0x8f: {  	_ = 	snop;
	(pc) =	sbr.rel @!p3 .LBB2_4-.Ltmp3, $4  }
0x90: {  	_ =	swait.ge [sflag:s28], $0x4E80  }
0x91: {  	s6 =	simm.s32 $0x80;
	[sflag:s28] =	ssyncset.done $0x0  }
0x92: {  	p1 =	sle.u32 s7, $0x1;
	p2 =	por $0x0, $0x0;
	[sflag:s28] =	ssyncadd.s32 $0xFFFFB180  }
0x93: {  	[tilespmem:s26], [sflag:$0x1] =	stream.indirect.gather [hbm4b:s1+s29], $0x80, s17, s29, $0xb8;
	[tilespmem:$0x1F800] =	vst v63  }
0x94: {  	s8 =	simm.s32 @p1 $0x1  }
0x95: {  	_ =	swait.ge @p1 [sflag:s8], $0x2000  }
0x96: {  	s12 =	simm.s32 @!p1 $0x1;
	[sflag:s8] =	ssyncset.done @p1 $0x0  }
0x97: {  	s13 =	simm.s32 @p1 $0x40;
	s14 =	simm.s32 @p1 $0x7800;
	[sflag:s8] =	ssyncadd.s32 @p1 $0xFFFFE000  }
0x98: {  	[spmem:s3] =	stream.indirect.scatter.add.f32 @p1 [tilespmem:s14], [sflag:$0x4], $0x80, s11, s13, $0xb8;
	[tilespmem:$0x1F800] =	vst v63  }
0x99: {  	s8 =	simm.s32 @!p1 $0x40;
	s13 =	simm.s32 @!p1 $0x40;
	s14 =	simm.s32 @!p1 $0x9800  }
0x9a: {  	[tilespmem:s14], [sflag:$0x2] =	stream.indirect.gather @!p1 [hbm4b:s1+s13], $0x80, s8, s13, $0xb8;
	[tilespmem:$0x1F800] =	vst v63  }
0x9b: {  	_ =	swait.ge @!p1 [sflag:s12], $0x2000  }
0x9c: {  	[sflag:s12] =	ssyncset.done @!p1 $0x0  }
0x9d: {  	s15 =	simm.s32 @!p1 $0x4;
	s8 =	simm.s32 @!p1 $0x7800;
	[sflag:s12] =	ssyncadd.s32 @!p1 $0xFFFFE000  }
0x9e: {  	[spmem:s3] =	stream.indirect.scatter.add.f32 @!p1 [tilespmem:s8], [sflag:$0x4], $0x80, s11, s13, $0xb8;
	[tilespmem:$0x1F800] =	vst v63  }
0x9f: {  	_ =	swait.ge @!p1 [sflag:s15], $0x2000  }
0xa0: {  	p3 =	sne.s32 s9, $0x4;
	[sflag:s15] =	ssyncset.done @!p1 $0x0  }
0xa1: {  	p2 =	por $0x1, $0x1;
	s11 =	simm.s32 @!p1 $0x2;
	[sflag:s15] =	ssyncadd.s32 @!p1 $0xFFFFE000  }
0xa2: {  	[tilespmem:s8], [sflag:$0x1] =	stream.indirect.gather @!p1 [hbm4b:s1+s13], $0x80, s6, s13, $0xb8;
	[tilespmem:$0x1F800] =	vst v63  }
.Ltmp4:
0xa3: {  	s12 =	simm.s32 @!p1 $0x3;
	_ =	swait.ge @!p1 [sflag:s11], $0x2000;
	(pc) =	sbr.rel @!p3 .LBB2_7-.Ltmp4, $4  }
0xa4: {  	s12 =	simm.s32 @p1 $0x4;
	s8 =	simm.s32 $0x4;
	[sflag:s11] =	ssyncset.done @!p1 $0x0  }
0xa5: {  	s6 =	simm.s32 @!p1 $0x2880;
	[sflag:s11] =	ssyncadd.s32 @!p1 $0xFFFFE000;
	s11 =	simm.s32 $0x2900  }
0xa6: {  	[spmem:s3] =	stream.indirect.scatter.add.f32 @!p1 [tilespmem:s14], [sflag:$0x3], $0x80, s6, s13, $0xb8;
	[tilespmem:$0x1F800] =	vst v63  }
0xa7: {  	s6 =	simm.s32 $0x100;
	p1 =	sle.u32 s7, $0x3;
	_ =	swait.ge [sflag:s12], $0x2000  }
.LBB2_6:
0xa8: {  	s13 =	simm.s32 @p1 $0x1  }
0xa9: {  	[sflag:s12] =	ssyncset.done $0x0;
	s14 =	smov.u32 s8;
	s8 =	sadd.s32 $0x2, s8  }
0xaa: {  	p3 =	sne.s32 s9, s8;
	[sflag:s12] =	ssyncadd.s32 $0xFFFFE000  }
0xab: {  	s12 =	simm.s32 @!p1 $0x1;
	_ =	swait.ge @p1 [sflag:s13], $0x2000  }
0xac: {  	s15 =	simm.s32 @p1 $0x40;
	s16 =	simm.s32 @p1 $0x7800;
	[sflag:s13] =	ssyncset.done @p1 $0x0  }
0xad: {  	[sflag:s13] =	ssyncadd.s32 @p1 $0xFFFFE000  }
0xae: {  	[spmem:s3] =	stream.indirect.scatter.add.f32 @p1 [tilespmem:s16], [sflag:$0x4], $0x80, s11, s15, $0xb8;
	[tilespmem:$0x1F800] =	vst v63  }
0xaf: {  	s13 =	sadd.s32 @!p1 $0xFFFFFFC0, s6;
	s15 =	simm.s32 @!p1 $0x40;
	s16 =	simm.s32 @!p1 $0x9800  }
0xb0: {  	[tilespmem:s16], [sflag:$0x2] =	stream.indirect.gather @!p1 [hbm4b:s1+s15], $0x80, s13, s15, $0xb8;
	[tilespmem:$0x1F800] =	vst v63  }
0xb1: {  	_ =	swait.ge @!p1 [sflag:s12], $0x2000  }
0xb2: {  	s17 =	simm.s32 @!p1 $0x4;
	s13 =	simm.s32 @!p1 $0x7800;
	[sflag:s12] =	ssyncset.done @!p1 $0x0  }
0xb3: {  	[sflag:s12] =	ssyncadd.s32 @!p1 $0xFFFFE000  }
0xb4: {  	[spmem:s3] =	stream.indirect.scatter.add.f32 @!p1 [tilespmem:s13], [sflag:$0x4], $0x80, s11, s15, $0xb8;
	[tilespmem:$0x1F800] =	vst v63  }
0xb5: {  	_ =	swait.ge @!p1 [sflag:s17], $0x2000  }
0xb6: {  	s18 =	simm.s32 @!p1 $0x2;
	[sflag:s17] =	ssyncset.done @!p1 $0x0  }
0xb7: {  	[sflag:s17] =	ssyncadd.s32 @!p1 $0xFFFFE000  }
0xb8: {  	[tilespmem:s13], [sflag:$0x1] =	stream.indirect.gather @!p1 [hbm4b:s1+s15], $0x80, s6, s15, $0xb8;
	[tilespmem:$0x1F800] =	vst v63  }
.Ltmp5:
0xb9: {  	s6 =	sadd.s32 $0x80, s6;
	_ =	swait.ge @!p1 [sflag:s18], $0x2000;
	(pc) =	sbr.rel @p3 .LBB2_6-.Ltmp5, $4  }
0xba: {  	s12 =	simm.s32 @!p1 $0x3;
	s13 =	sadd.s32 @!p1 $0x80, s11;
	[sflag:s18] =	ssyncset.done @!p1 $0x0  }
0xbb: {  	s14 =	sadd.s32 $0x1, s14;
	s12 =	simm.s32 @p1 $0x4;
	[sflag:s18] =	ssyncadd.s32 @!p1 $0xFFFFE000  }
0xbc: {  	[spmem:s3] =	stream.indirect.scatter.add.f32 @!p1 [tilespmem:s16], [sflag:$0x3], $0x80, s13, s15, $0xb8;
	[tilespmem:$0x1F800] =	vst v63  }
0xbd: {  	s11 =	sadd.s32 $0x100, s11;
	p1 =	sge.u32 s14, s7;
	_ =	swait.ge [sflag:s12], $0x2000  }
.LBB2_7:
0xbe: {  	[sflag:s12] =	ssyncset.done @p2 $0x0  }
0xbf: {  	s8 =	simm.s32 @p1 $0x1;
	[sflag:s12] =	ssyncadd.s32 @p2 $0xFFFFE000  }
0xc0: {  	_ =	swait.ge @p1 [sflag:s8], $0x2000  }
0xc1: {  	s13 =	simm.s32 @p1 $0x40;
	[sflag:s8] =	ssyncset.done @p1 $0x0  }
0xc2: {  	s14 =	simm.s32 @p1 $0x7800;
	s12 =	simm.s32 @!p1 $0x1;
	[sflag:s8] =	ssyncadd.s32 @p1 $0xFFFFE000  }
0xc3: {  	[spmem:s3] =	stream.indirect.scatter.add.f32 @p1 [tilespmem:s14], [sflag:$0x4], $0x80, s11, s13, $0xb8;
	[tilespmem:$0x1F800] =	vst v63  }
0xc4: {  	s8 =	sadd.s32 @!p1 $0xFFFFFFC0, s6;
	s13 =	simm.s32 @!p1 $0x40;
	s14 =	simm.s32 @!p1 $0x9800  }
0xc5: {  	[tilespmem:s14], [sflag:$0x2] =	stream.indirect.gather @!p1 [hbm4b:s1+s13], $0x80, s8, s13, $0xb8;
	[tilespmem:$0x1F800] =	vst v63  }
0xc6: {  	_ =	swait.ge @!p1 [sflag:s12], $0x2000  }
0xc7: {  	[sflag:s12] =	ssyncset.done @!p1 $0x0  }
0xc8: {  	s15 =	simm.s32 @!p1 $0x4;
	s8 =	simm.s32 @!p1 $0x7800;
	[sflag:s12] =	ssyncadd.s32 @!p1 $0xFFFFE000  }
0xc9: {  	[spmem:s3] =	stream.indirect.scatter.add.f32 @!p1 [tilespmem:s8], [sflag:$0x4], $0x80, s11, s13, $0xb8;
	[tilespmem:$0x1F800] =	vst v63  }
0xca: {  	_ =	swait.ge @!p1 [sflag:s15], $0x2000  }
0xcb: {  	[sflag:s15] =	ssyncset.done @!p1 $0x0  }
0xcc: {  	s12 =	simm.s32 @!p1 $0x2;
	[sflag:s15] =	ssyncadd.s32 @!p1 $0xFFFFE000  }
0xcd: {  	[tilespmem:s8], [sflag:$0x1] =	stream.indirect.gather @!p1 [hbm4b:s1+s13], $0x80, s6, s13, $0xb8;
	[tilespmem:$0x1F800] =	vst v63  }
0xce: {  	_ =	swait.ge @!p1 [sflag:s12], $0x2000  }
0xcf: {  	s6 =	simm.s32 @!p1 $0x3;
	s8 =	sadd.s32 @!p1 $0x80, s11;
	[sflag:s12] =	ssyncset.done @!p1 $0x0  }
.Ltmp6:
0xd0: {  	s6 =	simm.s32 @p1 $0x4;
	[sflag:s12] =	ssyncadd.s32 @!p1 $0xFFFFE000;
	(pc) =	sbr.rel @p0 .LBB2_11-.Ltmp6, $4  }
0xd1: {  	[spmem:s3] =	stream.indirect.scatter.add.f32 @!p1 [tilespmem:s14], [sflag:$0x3], $0x80, s8, s13, $0xb8;
	[tilespmem:$0x1F800] =	vst v63  }
0xd2: {  	_ =	swait.ge [sflag:s6], $0x2000  }
0xd3: {  	[sflag:s6] =	ssyncset.done $0x0  }
0xd4: {  	[sflag:s6] =	ssyncadd.s32 $0xFFFFE000  }
0xd5: {  	s6 =	simm.s32 $0x0;
	s8 =	rddreg [dreg:$0x6]  }
0xd6: {  	[tilespmem:s6], [sflag:$0x3] =	stream.linear.gather [hbm4b:s8+s6], $0x680, $0x38;
	[tilespmem:$0x1F800] =	vst v63  }
0xd7: {  	_ =	swait.ge [sflag:s28], $0x680  }
0xd8: {  	[sflag:s28] =	ssyncset.done $0x0  }
0xd9: {  	s11 =	simm.s32 $0x2800;
	s14 =	rddreg [dreg:$0x7];
	[sflag:s28] =	ssyncadd.s32 $0xFFFFF980  }
0xda: {  	[tilespmem:s11], [sflag:$0x3] =	stream.linear.gather [hbm4b:s14+s6], $0xC80, $0x38;
	[tilespmem:$0x1F800] =	vst v63  }
0xdb: {  	_ =	swait.ge [sflag:s28], $0xC80  }
0xdc: {  	[sflag:s28] =	ssyncset.done $0x0  }
0xdd: {  	[sflag:s28] =	ssyncadd.s32 $0xFFFFF380  }
0xde: {  	[tilespmem:s26], [sflag:$0x1] =	stream.indirect.gather [hbm4b:s1+s29], $0x80, s6, s29, $0xb8;
	[tilespmem:$0x1F800] =	vst v63  }
0xdf: {  	s15 =	simm.s32 $0x40  }
0xe0: {  	[tilespmem:s31], [sflag:$0x2] =	stream.indirect.gather [hbm4b:s1+s29], $0x80, s15, s29, $0xb8;
	[tilespmem:$0x1F800] =	vst v63  }
0xe1: {  	_ =	swait.ge [sflag:s2], $0x2000  }
0xe2: {  	[sflag:s2] =	ssyncset.done $0x0  }
0xe3: {  	s16 =	simm.s32 $0x2800;
	[sflag:s2] =	ssyncadd.s32 $0xFFFFE000  }
0xe4: {  	[spmem:s3] =	stream.indirect.scatter.add.f32 [tilespmem:s26], [sflag:$0x4], $0x80, s16, s29, $0xb8;
	[tilespmem:$0x1F800] =	vst v63  }
0xe5: {  	_ =	swait.ge [sflag:s0], $0x2000  }
0xe6: {  	[sflag:s0] =	ssyncset.done $0x0  }
0xe7: {  	s17 =	simm.s32 $0x80;
	[sflag:s0] =	ssyncadd.s32 $0xFFFFE000  }
0xe8: {  	[tilespmem:s26], [sflag:$0x1] =	stream.indirect.gather [hbm4b:s1+s29], $0x80, s17, s29, $0xb8;
	[tilespmem:$0x1F800] =	vst v63  }
0xe9: {  	_ =	swait.ge [sflag:s30], $0x2000  }
0xea: {  	[sflag:s30] =	ssyncset.done $0x0  }
0xeb: {  	s18 =	simm.s32 $0x2880;
	[sflag:s30] =	ssyncadd.s32 $0xFFFFE000  }
0xec: {  	[spmem:s3] =	stream.indirect.scatter.add.f32 [tilespmem:s31], [sflag:$0x3], $0x80, s18, s29, $0xb8;
	[tilespmem:$0x1F800] =	vst v63  }
0xed: {  	s8 =	simm.s32 $0x400;
	_ =	swait.ge [sflag:s28], $0x2000  }
0xee: {  	s11 =	simm.s32 $0x800;
	s6 =	simm.s32 $0x100;
	[sflag:s28] =	ssyncset.done $0x0  }
.LBB2_9:
0xef: {  	p1 =	sne.s32 s11, $0x2C00;
	s12 =	sadd.s32 $0xFFFFFFC0, s6;
	[sflag:s28] =	ssyncadd.s32 $0xFFFFE000  }
0xf0: {  	[tilespmem:s31], [sflag:$0x2] =	stream.indirect.gather [hbm4b:s1+s29], $0x80, s12, s29, $0xb8;
	[tilespmem:$0x1F800] =	vst v63  }
0xf1: {  	s12 =	smov.u32 s11;
	s11 =	sadd.s32 $0x400, s11;
	_ =	swait.ge [sflag:s2], $0x2000  }
0xf2: {  	s13 =	sshra.s32 s8, $0x2;
	s8 =	smov.u32 s12;
	[sflag:s2] =	ssyncset.done $0x0  }
0xf3: {  	s12 =	sadd.s32 $0x2800, s13;
	[sflag:s2] =	ssyncadd.s32 $0xFFFFE000  }
0xf4: {  	[spmem:s3] =	stream.indirect.scatter.add.f32 [tilespmem:s26], [sflag:$0x4], $0x80, s12, s29, $0xb8;
	[tilespmem:$0x1F800] =	vst v63  }
0xf5: {  	_ =	swait.ge [sflag:s0], $0x2000  }
0xf6: {  	[sflag:s0] =	ssyncset.done $0x0  }
0xf7: {  	[sflag:s0] =	ssyncadd.s32 $0xFFFFE000  }
0xf8: {  	[tilespmem:s26], [sflag:$0x1] =	stream.indirect.gather [hbm4b:s1+s29], $0x80, s6, s29, $0xb8;
	[tilespmem:$0x1F800] =	vst v63  }
0xf9: {  	_ =	swait.ge [sflag:s30], $0x2000  }
.Ltmp7:
0xfa: {  	[sflag:s30] =	ssyncset.done $0x0;
	(pc) =	sbr.rel @p1 .LBB2_9-.Ltmp7, $4  }
0xfb: {  	s12 =	sadd.s32 $0x2880, s13;
	[sflag:s30] =	ssyncadd.s32 $0xFFFFE000  }
0xfc: {  	[spmem:s3] =	stream.indirect.scatter.add.f32 [tilespmem:s31], [sflag:$0x3], $0x80, s12, s29, $0xb8;
	[tilespmem:$0x1F800] =	vst v63  }
0xfd: {  	_ =	swait.ge [sflag:s28], $0x2000  }
0xfe: {  	s6 =	sadd.s32 $0x80, s6;
	[sflag:s28] =	ssyncset.done $0x0  }
.Ltmp8:
0xff: {  	_ = 	snop;
	(pc) =	sbr.rel .LBB2_10-.Ltmp8, $1  }
0x100: {  	_ =	sdelay $0x3  }
.LBB2_4:
.Ltmp9:
0x101: {  	(pc) =	sbr.rel .LBB2_7-.Ltmp9, $2  }
0x102: {  	_ =	sdelay $0x2  }
0x103: {  	_ = 	snop  }
.LBB2_12:
0x104: {  	_ =	sfence.sel $0x180000  }
0x105: {  	[bflag:$0x0] =	sbarrier.arrive $0xFFFF  }
0x106: {  	_ =	strace $0x9000004A  }
0x107: {  	s0 =	stileid.u32;
	[bflag:$0x2] =	sbarrier.arrive $0xFFFF  }
0x108: {  	p0 =	sne.s32 s0, $0x0;
	s0 =	rddreg [dreg:$0x3]  }
0x109: {  	s0 =	sadd.s32 @!p0 $0x100000, s0  }
0x10a: {  	[sflag:s0] =	ssyncadd.tile.s32 @!p0 $0x1;
	_ =	shalt  }
.Lfunc_end2:
_tile_overlayer_lowered:
.L_overlay_start_2:
0x10b: {  	(tag) =	ssettag $0x2  }
0x10c: {  	s0 =	rddreg [dreg:$0x0];
	s2 =	stileid.u32  }
0x10d: {  	s1 =	rddreg [dreg:$0x1];
	p0 =	sne.s32 s2, $0x0  }
0x10e: {  	s3 =	rddreg [dreg:$0x2];
	[bflag:$0x3] =	sbarrier.arrive $0xFFFF;
	s2 =	simm.s32 @!p0 $0x1C03  }
0x10f: {  	[timem:s3], [sflag:s2] =	dma.local @!p0 [hbm:s0], s1  }
0x110: {  	s0 =	simm.s32 @!p0 $0x3  }
0x111: {  	_ =	swait.ge @!p0 [sflag:s0], s1  }
0x112: {  	s1 =	ssub.s32 @!p0 $0x0, s1;
	[sflag:s0] =	ssyncset.done @!p0 $0x0  }
0x113: {  	[sflag:s0] =	ssyncadd.s32 @!p0 s1  }
0x114: {  	[bflag:$0x3] =	sbarrier.arrive $0xFFFF  }
0x115: {  	_ =	shalt  }

</sc_bundles>
